<compile_context>
chip_gen: v7x
topology: tpu7x:2x2x1
jax: 0.10.2.dev20260603
libtpu: 0.0.44.dev20260713+nightly
codegen_flags: <defaults>
</compile_context>

<pallas_src>
import functools

import jax
import jax.numpy as jnp
from jax import lax
from jax.experimental import pallas as pl
from jax.experimental.pallas import tpu as pltpu, tpu_sc as plsc

N = 10000
E = 320000
D_IN = 128
N_CLASSES = 64

NC = 2
NS = 16
NW = NC * NS
LANES = 16

B = 128
C0 = 102
C1 = 56
CM = 102
E_PAD = NS * (C0 + C1) * B
PAD_DST = N
N_PAD = ((N // (NS * LANES)) + 1) * (NS * LANES)
RPT = N_PAD // NS

_mesh = plsc.VectorSubcoreMesh(core_axis_name="c", subcore_axis_name="s")



@functools.partial(
    pl.kernel,
    out_type=jax.ShapeDtypeStruct((NC, N_PAD), jnp.float32),
    mesh=_mesh,
    scratch_types=[
        pltpu.VMEM((CM, B), jnp.int32),
        pltpu.VMEM((B,), jnp.float32),
        pltpu.VMEM((16,), jnp.int32),
        pltpu.VMEM_SHARED((N_PAD,), jnp.float32),
    ],
)
def _sc_degree(col_hbm, cnt_hbm, ones_hbm, z16_hbm, degp_hbm, col_v, ones_v, cnt_v, acc_sh):
    cid = lax.axis_index("c")
    sid = lax.axis_index("s")
    wid = sid * NC + cid
    pltpu.sync_copy(col_hbm.at[wid], col_v)
    pltpu.sync_copy(cnt_hbm, cnt_v)
    pltpu.sync_copy(ones_hbm, ones_v)
    pltpu.sync_copy(z16_hbm.at[pl.ds(sid * RPT, RPT)],
                    acc_sh.at[pl.ds(sid * RPT, RPT)])
    plsc.subcore_barrier()
    cnt16 = cnt_v[...]
    c_my = jnp.where(cid == 0, cnt16[0], cnt16[1])

    @pl.loop(0, c_my)
    def _count(j):
        pltpu.sync_copy(ones_v, acc_sh.at[col_v.at[j]], add=True)

    plsc.subcore_barrier()
    pltpu.sync_copy(acc_sh.at[pl.ds(sid * RPT, RPT)],
                    degp_hbm.at[cid, pl.ds(sid * RPT, RPT)])



@functools.partial(
    pl.kernel,
    out_type=jax.ShapeDtypeStruct((NC, N_PAD, D_IN), jnp.float32),
    mesh=_mesh,
    scratch_types=[
        pltpu.VMEM((CM, B), jnp.int32),
        pltpu.VMEM((CM, B), jnp.int32),
        pltpu.VMEM((B, D_IN), jnp.float32),
        pltpu.VMEM((16,), jnp.int32),
        pltpu.VMEM_SHARED((N_PAD, D_IN), jnp.float32),
        pltpu.SemaphoreType.DMA,
    ],
)
def _sc_hop(h_hbm, row_hbm, col_hbm, cnt_hbm, zeros_hbm, out_hbm,
            row_v, col_v, buf_v, cnt_v, acc_sh, gsem):
    cid = lax.axis_index("c")
    sid = lax.axis_index("s")
    wid = sid * NC + cid

    pltpu.sync_copy(row_hbm.at[wid], row_v)
    pltpu.sync_copy(col_hbm.at[wid], col_v)
    pltpu.sync_copy(cnt_hbm, cnt_v)
    pltpu.sync_copy(zeros_hbm.at[pl.ds(sid * RPT, RPT)],
                    acc_sh.at[pl.ds(sid * RPT, RPT)])
    plsc.subcore_barrier()
    cnt16 = cnt_v[...]
    c_my = jnp.where(cid == 0, cnt16[0], cnt16[1])

    @pl.loop(0, c_my)
    def _edges(j):
        pltpu.async_copy(h_hbm.at[row_v.at[j]], buf_v, gsem).wait()
        pltpu.sync_copy(buf_v, acc_sh.at[col_v.at[j]], add=True)

    plsc.subcore_barrier()
    pltpu.sync_copy(acc_sh.at[pl.ds(sid * RPT, RPT)],
                    out_hbm.at[cid, pl.ds(sid * RPT, RPT)])



RB = 1280


def _deg_block(degp_blk):
    return degp_blk[0] + degp_blk[1] + 1.0


def _tc_scale_in_body(degp_ref, x_ref, x0_ref):
    deg = _deg_block(degp_ref[...])
    x0_ref[...] = x_ref[...] * lax.rsqrt(deg)[:, None]


def _tc_mid_body(degp_ref, parts_ref, h_ref, y_ref):
    deg = _deg_block(degp_ref[...])
    z = parts_ref[0] + parts_ref[1] + h_ref[...]
    y_ref[...] = z * (1.0 / deg)[:, None]


def _tc_head_body(degp_ref, parts_ref, h_ref, w1_ref, b1_ref, w2_ref, b2_ref, o_ref):
    deg = _deg_block(degp_ref[...])
    z = (parts_ref[0] + parts_ref[1] + h_ref[...]) * lax.rsqrt(deg)[:, None]
    t = jnp.dot(z, w1_ref[...], preferred_element_type=jnp.float32) + b1_ref[...]
    t = jnp.maximum(t, 0.0)
    o_ref[...] = jnp.dot(t, w2_ref[...], preferred_element_type=jnp.float32) + b2_ref[...]


_degp_spec = pl.BlockSpec((NC, RB), lambda i: (0, i))
_row_spec = pl.BlockSpec((RB, D_IN), lambda i: (i, 0))
_parts_spec = pl.BlockSpec((NC, RB, D_IN), lambda i: (0, i, 0))

_tc_scale_in = pl.pallas_call(
    _tc_scale_in_body,
    grid=(N_PAD // RB,),
    in_specs=[_degp_spec, _row_spec],
    out_specs=_row_spec,
    out_shape=jax.ShapeDtypeStruct((N_PAD, D_IN), jnp.float32),
)

_tc_mid = pl.pallas_call(
    _tc_mid_body,
    grid=(N_PAD // RB,),
    in_specs=[_degp_spec, _parts_spec, _row_spec],
    out_specs=_row_spec,
    out_shape=jax.ShapeDtypeStruct((N_PAD, D_IN), jnp.float32),
)

_tc_head = pl.pallas_call(
    _tc_head_body,
    grid=(N_PAD // RB,),
    in_specs=[
        _degp_spec,
        _parts_spec,
        _row_spec,
        pl.BlockSpec((D_IN, D_IN), lambda i: (0, 0)),
        pl.BlockSpec((1, D_IN), lambda i: (0, 0)),
        pl.BlockSpec((D_IN, N_CLASSES), lambda i: (0, 0)),
        pl.BlockSpec((1, N_CLASSES), lambda i: (0, 0)),
    ],
    out_specs=pl.BlockSpec((RB, N_CLASSES), lambda i: (i, 0)),
    out_shape=jax.ShapeDtypeStruct((N_PAD, N_CLASSES), jnp.float32),
)



def _pack(v, c0, c1):
    n0 = NS * c0 * B
    s0 = jnp.pad(v[:n0].reshape(NS, c0, B), ((0, 0), (0, CM - c0), (0, 0)))
    s1 = jnp.pad(v[n0:].reshape(NS, c1, B), ((0, 0), (0, CM - c1), (0, 0)))
    return jnp.stack([s0, s1], axis=1).reshape(NW, CM, B)


def kernel(x, edge_index, W1, b1, W2, b2):
    row = edge_index[0].astype(jnp.int32)
    col = edge_index[1].astype(jnp.int32)
    pad = E_PAD - E
    rowp = _pack(jnp.concatenate([row, jnp.zeros((pad,), jnp.int32)]), C0, C1)
    colp = _pack(jnp.concatenate([col, jnp.full((pad,), PAD_DST, jnp.int32)]), C0, C1)
    cnt = jnp.zeros((16,), jnp.int32).at[0].set(C0).at[1].set(C1)
    zeros = jnp.zeros((N_PAD, D_IN), jnp.float32)

    ones1 = jnp.ones((B,), jnp.float32)
    zeros1 = jnp.zeros((N_PAD,), jnp.float32)
    degp = _sc_degree(colp, cnt, ones1, zeros1)
    xp = jnp.pad(x, ((0, N_PAD - N), (0, 0)))
    x0 = _tc_scale_in(degp, xp)
    parts1 = _sc_hop(x0, rowp, colp, cnt, zeros)
    y1 = _tc_mid(degp, parts1, x0)
    parts2 = _sc_hop(y1, rowp, colp, cnt, zeros)
    out = _tc_head(degp, parts2, y1,
                   W1, b1.reshape(1, D_IN), W2, b2.reshape(1, N_CLASSES))
    return out[:N]

# --- scband reference (transcript-rebuilt; emitter-appended) ---
"""Pipeline reference for scband-sgc-15479062135295 (READ-ONLY COPY).

The authoritative reference and input builder live on the scoring server;
editing this copy changes nothing except your own understanding.
"""

import jax, jax.numpy as jnp
import numpy as np

N = 10000
E = 320000
D_IN = 128
D_HID = 128
N_CLASSES = 64
K_HOPS = 2

def setup_inputs(seed: int = 0) -> dict:
    key = jax.random.key(seed)
    k1, k2, k3, k4, k5 = jax.random.split(key, 5)
    x = jax.random.normal(k1, (N, D_IN), dtype=jnp.float32)
    edge_index = jax.random.randint(k2, (2, E), 0, N)
    # SGConv linear: in_feats -> n_hidden (bias=True default in PyG SGConv)
    W1 = jax.random.normal(k3, (D_IN, D_HID), dtype=jnp.float32) * (1.0 / np.sqrt(D_IN))
    b1 = jnp.zeros((D_HID,), dtype=jnp.float32)
    # Output Linear: n_hidden -> n_classes
    W2 = jax.random.normal(k4, (D_HID, N_CLASSES), dtype=jnp.float32) * (1.0 / np.sqrt(D_HID))
    b2 = jnp.zeros((N_CLASSES,), dtype=jnp.float32)
    return {"x": x, "edge_index": edge_index, "W1": W1, "b1": b1, "W2": W2, "b2": b2}

def reference(x, edge_index, W1, b1, W2, b2):
    n = x.shape[0]
    row = edge_index[0]
    col = edge_index[1]
    # gcn_norm: add self-loops with weight 1, symmetric normalization
    loop = jnp.arange(n, dtype=row.dtype)
    row = jnp.concatenate([row, loop])
    col = jnp.concatenate([col, loop])
    ew = jnp.ones((row.shape[0],), dtype=x.dtype)
    deg = jnp.zeros((n,), dtype=x.dtype).at[col].add(ew)
    deg_inv_sqrt = jnp.where(deg > 0, 1.0 / jnp.sqrt(deg), 0.0)
    norm = deg_inv_sqrt[row] * ew * deg_inv_sqrt[col]
    # SGConv: K rounds of propagation (gather src -> scale -> scatter-add to dst)
    h = x
    for _ in range(K_HOPS):
        msgs = norm[:, None] * jnp.take(h, row, axis=0)
        h = jnp.zeros((n, h.shape[1]), dtype=h.dtype).at[col].add(msgs)
    # SGConv linear
    h = h @ W1 + b1
    # SGC: activation (relu); dropout is identity in eval mode
    h = jax.nn.relu(h)
    # final classifier linear
    out = h @ W2 + b2
    return out

if __name__ == "__main__":
    import jax
    _d = setup_inputs()
    print(jax.jit(kernel)(*tuple(_d.values())))

</pallas_src>

<mosaic_0001>
#map = affine_map<(d0, d1) -> (0, 0)>
#map1 = affine_map<(d0, d1) -> (0, 0, 0)>
#map2 = affine_map<(d0, d1) -> (0)>
module attributes {stable_mosaic.version = 14 : i64} {
  func.func @_sc_hop(%arg0: i32, %arg1: i32, %arg2: memref<10240x128xf32, #tpu.memory_space<hbm>>, %arg3: memref<32x102x128xi32, #tpu.memory_space<hbm>>, %arg4: memref<32x102x128xi32, #tpu.memory_space<hbm>>, %arg5: memref<16xi32, #tpu.memory_space<hbm>>, %arg6: memref<10240x128xf32, #tpu.memory_space<hbm>>, %arg7: memref<2x10240x128xf32, #tpu.memory_space<hbm>>, %arg8: memref<102x128xi32, #tpu.memory_space<vmem>>, %arg9: memref<102x128xi32, #tpu.memory_space<vmem>>, %arg10: memref<128x128xf32, #tpu.memory_space<vmem>>, %arg11: memref<16xi32, #tpu.memory_space<vmem>>, %arg12: memref<10240x128xf32, #tpu.memory_space<vmem_shared>>, %arg13: memref<!tpu.dma_semaphore, #tpu.memory_space<semaphore_mem>>) attributes {dimension_semantics = [#tpu.dimension_semantics<core_parallel>, #tpu.dimension_semantics<subcore_parallel>], iteration_bounds = array<i64: 2, 16>, scalar_prefetch = 0 : i64, scratch_operands = 6 : i64, tpu.core_type = #tpu.core_type<sc_vector_subcore>, window_params = [{transform_indices = #map}, {transform_indices = #map1}, {transform_indices = #map1}, {transform_indices = #map2}, {transform_indices = #map}, {transform_indices = #map1}]} {
    %mul3A = arith.constant 2 : i32
    %mul3A_0 = arith.muli %arg1, %mul3A : i32
    %add3A = arith.addi %mul3A_0, %arg0 : i32
    "tpu.region"() ({
      %run_scoped3A = tpu.sem_alloc : memref<!tpu.dma_semaphore, #tpu.memory_space<semaphore_mem>>
      %dma_start3A = arith.constant 0 : i32
      %dma_start3A_31 = arith.constant 0 : i32
      %dma_start3A_32 = tpu.memref_slice %arg3[%add3A, %dma_start3A, %dma_start3A_31] : memref<32x102x128xi32, #tpu.memory_space<hbm>> -> memref<1x102x128xi32, #tpu.memory_space<hbm>>
      %dma_start3A_33 = tpu.memref_squeeze %dma_start3A_32 : memref<1x102x128xi32, #tpu.memory_space<hbm>> -> memref<102x128xi32, #tpu.memory_space<hbm>>
      %dma_start3A_34 = arith.constant 0 : i32
      %dma_start3A_35 = arith.constant 0 : i32
      %dma_start3A_36 = tpu.memref_slice %arg3[%add3A, %dma_start3A_34, %dma_start3A_35] : memref<32x102x128xi32, #tpu.memory_space<hbm>> -> memref<1x102x128xi32, #tpu.memory_space<hbm>>
      %dma_start3A_37 = tpu.memref_squeeze %dma_start3A_36 : memref<1x102x128xi32, #tpu.memory_space<hbm>> -> memref<102x128xi32, #tpu.memory_space<hbm>>
      tpu.enqueue_dma source(%dma_start3A_37 : memref<102x128xi32, #tpu.memory_space<hbm>>) target(%arg8 : memref<102x128xi32, #tpu.memory_space<vmem>>) target_semaphore(%run_scoped3A : memref<!tpu.dma_semaphore, #tpu.memory_space<semaphore_mem>>)
      %dma_wait3A = arith.constant 0 : i32
      %dma_wait3A_38 = arith.constant 0 : i32
      %dma_wait3A_39 = tpu.memref_slice %arg3[%add3A, %dma_wait3A, %dma_wait3A_38] : memref<32x102x128xi32, #tpu.memory_space<hbm>> -> memref<1x102x128xi32, #tpu.memory_space<hbm>>
      %dma_wait3A_40 = tpu.memref_squeeze %dma_wait3A_39 : memref<1x102x128xi32, #tpu.memory_space<hbm>> -> memref<102x128xi32, #tpu.memory_space<hbm>>
      %dma_wait3A_41 = arith.constant 0 : i32
      %dma_wait3A_42 = arith.constant 0 : i32
      %dma_wait3A_43 = tpu.memref_slice %arg3[%add3A, %dma_wait3A_41, %dma_wait3A_42] : memref<32x102x128xi32, #tpu.memory_space<hbm>> -> memref<1x102x128xi32, #tpu.memory_space<hbm>>
      %dma_wait3A_44 = tpu.memref_squeeze %dma_wait3A_43 : memref<1x102x128xi32, #tpu.memory_space<hbm>> -> memref<102x128xi32, #tpu.memory_space<hbm>>
      tpu.wait_dma2 semaphore(%run_scoped3A : memref<!tpu.dma_semaphore, #tpu.memory_space<semaphore_mem>>) src(%dma_wait3A_44 : memref<102x128xi32, #tpu.memory_space<hbm>>) dst(%arg8 : memref<102x128xi32, #tpu.memory_space<vmem>>)
      tpu.yield
    }) : () -> ()
    "tpu.region"() ({
      %run_scoped3A = tpu.sem_alloc : memref<!tpu.dma_semaphore, #tpu.memory_space<semaphore_mem>>
      %dma_start3A = arith.constant 0 : i32
      %dma_start3A_31 = arith.constant 0 : i32
      %dma_start3A_32 = tpu.memref_slice %arg4[%add3A, %dma_start3A, %dma_start3A_31] : memref<32x102x128xi32, #tpu.memory_space<hbm>> -> memref<1x102x128xi32, #tpu.memory_space<hbm>>
      %dma_start3A_33 = tpu.memref_squeeze %dma_start3A_32 : memref<1x102x128xi32, #tpu.memory_space<hbm>> -> memref<102x128xi32, #tpu.memory_space<hbm>>
      %dma_start3A_34 = arith.constant 0 : i32
      %dma_start3A_35 = arith.constant 0 : i32
      %dma_start3A_36 = tpu.memref_slice %arg4[%add3A, %dma_start3A_34, %dma_start3A_35] : memref<32x102x128xi32, #tpu.memory_space<hbm>> -> memref<1x102x128xi32, #tpu.memory_space<hbm>>
      %dma_start3A_37 = tpu.memref_squeeze %dma_start3A_36 : memref<1x102x128xi32, #tpu.memory_space<hbm>> -> memref<102x128xi32, #tpu.memory_space<hbm>>
      tpu.enqueue_dma source(%dma_start3A_37 : memref<102x128xi32, #tpu.memory_space<hbm>>) target(%arg9 : memref<102x128xi32, #tpu.memory_space<vmem>>) target_semaphore(%run_scoped3A : memref<!tpu.dma_semaphore, #tpu.memory_space<semaphore_mem>>)
      %dma_wait3A = arith.constant 0 : i32
      %dma_wait3A_38 = arith.constant 0 : i32
      %dma_wait3A_39 = tpu.memref_slice %arg4[%add3A, %dma_wait3A, %dma_wait3A_38] : memref<32x102x128xi32, #tpu.memory_space<hbm>> -> memref<1x102x128xi32, #tpu.memory_space<hbm>>
      %dma_wait3A_40 = tpu.memref_squeeze %dma_wait3A_39 : memref<1x102x128xi32, #tpu.memory_space<hbm>> -> memref<102x128xi32, #tpu.memory_space<hbm>>
      %dma_wait3A_41 = arith.constant 0 : i32
      %dma_wait3A_42 = arith.constant 0 : i32
      %dma_wait3A_43 = tpu.memref_slice %arg4[%add3A, %dma_wait3A_41, %dma_wait3A_42] : memref<32x102x128xi32, #tpu.memory_space<hbm>> -> memref<1x102x128xi32, #tpu.memory_space<hbm>>
      %dma_wait3A_44 = tpu.memref_squeeze %dma_wait3A_43 : memref<1x102x128xi32, #tpu.memory_space<hbm>> -> memref<102x128xi32, #tpu.memory_space<hbm>>
      tpu.wait_dma2 semaphore(%run_scoped3A : memref<!tpu.dma_semaphore, #tpu.memory_space<semaphore_mem>>) src(%dma_wait3A_44 : memref<102x128xi32, #tpu.memory_space<hbm>>) dst(%arg9 : memref<102x128xi32, #tpu.memory_space<vmem>>)
      tpu.yield
    }) : () -> ()
    "tpu.region"() ({
      %run_scoped3A = tpu.sem_alloc : memref<!tpu.dma_semaphore, #tpu.memory_space<semaphore_mem>>
      tpu.enqueue_dma source(%arg5 : memref<16xi32, #tpu.memory_space<hbm>>) target(%arg11 : memref<16xi32, #tpu.memory_space<vmem>>) target_semaphore(%run_scoped3A : memref<!tpu.dma_semaphore, #tpu.memory_space<semaphore_mem>>)
      tpu.wait_dma2 semaphore(%run_scoped3A : memref<!tpu.dma_semaphore, #tpu.memory_space<semaphore_mem>>) src(%arg5 : memref<16xi32, #tpu.memory_space<hbm>>) dst(%arg11 : memref<16xi32, #tpu.memory_space<vmem>>)
      tpu.yield
    }) : () -> ()
    %mul3A_1 = arith.constant 640 : i32
    %mul3A_2 = arith.muli %arg1, %mul3A_1 : i32
    %mul3A_3 = arith.constant 640 : i32
    %mul3A_4 = arith.muli %arg1, %mul3A_3 : i32
    "tpu.region"() ({
      %run_scoped3A = tpu.sem_alloc : memref<!tpu.dma_semaphore, #tpu.memory_space<semaphore_mem>>
      %dma_start3A = arith.constant 0 : i32
      %dma_start3A_31 = tpu.memref_slice %arg12[%mul3A_4, %dma_start3A] : memref<10240x128xf32, #tpu.memory_space<vmem_shared>> -> memref<640x128xf32, #tpu.memory_space<vmem_shared>>
      %dma_start3A_32 = arith.constant 0 : i32
      %dma_start3A_33 = tpu.memref_slice %arg6[%mul3A_2, %dma_start3A_32] : memref<10240x128xf32, #tpu.memory_space<hbm>> -> memref<640x128xf32, #tpu.memory_space<hbm>>
      tpu.enqueue_dma source(%dma_start3A_33 : memref<640x128xf32, #tpu.memory_space<hbm>>) target(%dma_start3A_31 : memref<640x128xf32, #tpu.memory_space<vmem_shared>>) target_semaphore(%run_scoped3A : memref<!tpu.dma_semaphore, #tpu.memory_space<semaphore_mem>>)
      %dma_wait3A = arith.constant 0 : i32
      %dma_wait3A_34 = tpu.memref_slice %arg12[%mul3A_4, %dma_wait3A] : memref<10240x128xf32, #tpu.memory_space<vmem_shared>> -> memref<640x128xf32, #tpu.memory_space<vmem_shared>>
      %dma_wait3A_35 = arith.constant 0 : i32
      %dma_wait3A_36 = tpu.memref_slice %arg6[%mul3A_2, %dma_wait3A_35] : memref<10240x128xf32, #tpu.memory_space<hbm>> -> memref<640x128xf32, #tpu.memory_space<hbm>>
      tpu.wait_dma2 semaphore(%run_scoped3A : memref<!tpu.dma_semaphore, #tpu.memory_space<semaphore_mem>>) src(%dma_wait3A_36 : memref<640x128xf32, #tpu.memory_space<hbm>>) dst(%dma_wait3A_34 : memref<640x128xf32, #tpu.memory_space<vmem_shared>>)
      tpu.yield
    }) : () -> ()
    %barrier3A = arith.constant 0 : index
    tpu.barrier barrier_id(%barrier3A)
    %get3A = arith.constant 0 : index
    %get3A_5 = tpu.vector_load %arg11[%get3A] {strides = array<i32>} : memref<16xi32, #tpu.memory_space<vmem>>, vector<16xi32>,
    %get3A_6 = vector.shape_cast %get3A_5 : vector<16xi32> to vector<16xi32>
    %eq3A = arith.constant 0 : i32
    %eq3A_7 = arith.cmpi eq, %arg0, %eq3A : i32
    %slice3A = vector.extract_strided_slice %get3A_6 {offsets = [0], sizes = [1], strides = [1]} : vector<16xi32> to vector<1xi32>
    %squeeze3A = vector.extract %slice3A[0] : i32 from vector<1xi32>
    %slice3A_8 = vector.extract_strided_slice %get3A_6 {offsets = [1], sizes = [1], strides = [1]} : vector<16xi32> to vector<1xi32>
    %squeeze3A_9 = vector.extract %slice3A_8[0] : i32 from vector<1xi32>
    %select_n3A = arith.select %eq3A_7, %squeeze3A, %squeeze3A_9 : i32
    %sub3A = arith.constant 0 : i32
    %sub3A_10 = arith.subi %select_n3A, %sub3A : i32
    %sub3A_11 = arith.constant 1 : i32
    %sub3A_12 = arith.constant 1 : i32
    %sub3A_13 = arith.subi %sub3A_11, %sub3A_12 : i32
    %add3A_14 = arith.addi %sub3A_10, %sub3A_13 : i32
    %div3A = arith.constant 1 : i32
    %div3A_15 = arith.divsi %add3A_14, %div3A : i32
    %while3A = arith.constant 1 : i32
    %while3A_16 = arith.constant 0 : i32
    %while3A_17 = arith.constant 0 : i32
    %while3A_18 = arith.subi %div3A_15, %while3A_17 : i32
    %while3A_19 = arith.addi %while3A_17, %while3A_18 : i32
    %while3A_20 = arith.constant 1 : i32
    %while3A_21 = arith.divsi %while3A_18, %while3A_20 : i32
    %while3A_22 = arith.muli %while3A_21, %while3A_20 : i32
    %while3A_23 = arith.addi %while3A_17, %while3A_22 : i32
    %while3A_24 = arith.constant 1 : i32
    scf.for %while3A_31 = %while3A_17 to %while3A_23 step %while3A_24  : i32 {
      %mul3A_32 = arith.muli %while3A_31, %while3A : i32
      %add3A_33 = arith.addi %while3A_16, %mul3A_32 : i32
      %dma_start3A = arith.constant 0 : i32
      %dma_start3A_34 = tpu.memref_slice %arg8[%add3A_33, %dma_start3A] : memref<102x128xi32, #tpu.memory_space<vmem>> -> memref<1x128xi32, #tpu.memory_space<vmem>>
      %dma_start3A_35 = tpu.memref_squeeze %dma_start3A_34 : memref<1x128xi32, #tpu.memory_space<vmem>> -> memref<128xi32, #tpu.memory_space<vmem>>
      %dma_start3A_36 = arith.constant 0 : i32
      %dma_start3A_37 = arith.constant 0 : i32
      %dma_start3A_38 = tpu.memref_slice %arg2[%dma_start3A_36, %dma_start3A_37] : memref<10240x128xf32, #tpu.memory_space<hbm>> -> memref<10240x128xf32, #tpu.memory_space<hbm>>
      tpu.enqueue_indirect_dma source(%dma_start3A_38 : memref<10240x128xf32, #tpu.memory_space<hbm>>) target(%arg10 : memref<128x128xf32, #tpu.memory_space<vmem>>) offsets(%dma_start3A_35 : memref<128xi32, #tpu.memory_space<vmem>>) semaphore(%arg13 : memref<!tpu.dma_semaphore, #tpu.memory_space<semaphore_mem>>)
      %dma_wait3A = arith.constant 0 : i32
      %dma_wait3A_39 = tpu.memref_slice %arg8[%add3A_33, %dma_wait3A] : memref<102x128xi32, #tpu.memory_space<vmem>> -> memref<1x128xi32, #tpu.memory_space<vmem>>
      %dma_wait3A_40 = tpu.memref_squeeze %dma_wait3A_39 : memref<1x128xi32, #tpu.memory_space<vmem>> -> memref<128xi32, #tpu.memory_space<vmem>>
      %dma_wait3A_41 = arith.constant 0 : i32
      %dma_wait3A_42 = arith.constant 0 : i32
      %dma_wait3A_43 = tpu.memref_slice %arg2[%dma_wait3A_41, %dma_wait3A_42] : memref<10240x128xf32, #tpu.memory_space<hbm>> -> memref<10240x128xf32, #tpu.memory_space<hbm>>
      tpu.wait_indirect_dma semaphore(%arg13 : memref<!tpu.dma_semaphore, #tpu.memory_space<semaphore_mem>>) src(%dma_wait3A_43 : memref<10240x128xf32, #tpu.memory_space<hbm>>) dst(%arg10 : memref<128x128xf32, #tpu.memory_space<vmem>>)
      "tpu.region"() ({
        %run_scoped3A = tpu.sem_alloc : memref<!tpu.dma_semaphore, #tpu.memory_space<semaphore_mem>>
        %dma_start3A_44 = arith.constant 0 : i32
        %dma_start3A_45 = tpu.memref_slice %arg9[%add3A_33, %dma_start3A_44] : memref<102x128xi32, #tpu.memory_space<vmem>> -> memref<1x128xi32, #tpu.memory_space<vmem>>
        %dma_start3A_46 = tpu.memref_squeeze %dma_start3A_45 : memref<1x128xi32, #tpu.memory_space<vmem>> -> memref<128xi32, #tpu.memory_space<vmem>>
        %dma_start3A_47 = arith.constant 0 : i32
        %dma_start3A_48 = arith.constant 0 : i32
        %dma_start3A_49 = tpu.memref_slice %arg12[%dma_start3A_47, %dma_start3A_48] : memref<10240x128xf32, #tpu.memory_space<vmem_shared>> -> memref<10240x128xf32, #tpu.memory_space<vmem_shared>>
        tpu.enqueue_indirect_dma source(%arg10 : memref<128x128xf32, #tpu.memory_space<vmem>>) target(%dma_start3A_49 : memref<10240x128xf32, #tpu.memory_space<vmem_shared>>) offsets(%dma_start3A_46 : memref<128xi32, #tpu.memory_space<vmem>>) semaphore(%run_scoped3A : memref<!tpu.dma_semaphore, #tpu.memory_space<semaphore_mem>>) {add = true}
        %dma_wait3A_50 = arith.constant 0 : i32
        %dma_wait3A_51 = tpu.memref_slice %arg9[%add3A_33, %dma_wait3A_50] : memref<102x128xi32, #tpu.memory_space<vmem>> -> memref<1x128xi32, #tpu.memory_space<vmem>>
        %dma_wait3A_52 = tpu.memref_squeeze %dma_wait3A_51 : memref<1x128xi32, #tpu.memory_space<vmem>> -> memref<128xi32, #tpu.memory_space<vmem>>
        %dma_wait3A_53 = arith.constant 0 : i32
        %dma_wait3A_54 = arith.constant 0 : i32
        %dma_wait3A_55 = tpu.memref_slice %arg12[%dma_wait3A_53, %dma_wait3A_54] : memref<10240x128xf32, #tpu.memory_space<vmem_shared>> -> memref<10240x128xf32, #tpu.memory_space<vmem_shared>>
        tpu.wait_indirect_dma semaphore(%run_scoped3A : memref<!tpu.dma_semaphore, #tpu.memory_space<semaphore_mem>>) src(%arg10 : memref<128x128xf32, #tpu.memory_space<vmem>>) dst(%dma_wait3A_55 : memref<10240x128xf32, #tpu.memory_space<vmem_shared>>)
        tpu.yield
      }) : () -> ()
    }
    %while3A_25 = arith.constant 1 : i32
    scf.for %while3A_31 = %while3A_23 to %while3A_19 step %while3A_25  : i32 {
      %mul3A_32 = arith.muli %while3A_31, %while3A : i32
      %add3A_33 = arith.addi %while3A_16, %mul3A_32 : i32
      %dma_start3A = arith.constant 0 : i32
      %dma_start3A_34 = tpu.memref_slice %arg8[%add3A_33, %dma_start3A] : memref<102x128xi32, #tpu.memory_space<vmem>> -> memref<1x128xi32, #tpu.memory_space<vmem>>
      %dma_start3A_35 = tpu.memref_squeeze %dma_start3A_34 : memref<1x128xi32, #tpu.memory_space<vmem>> -> memref<128xi32, #tpu.memory_space<vmem>>
      %dma_start3A_36 = arith.constant 0 : i32
      %dma_start3A_37 = arith.constant 0 : i32
      %dma_start3A_38 = tpu.memref_slice %arg2[%dma_start3A_36, %dma_start3A_37] : memref<10240x128xf32, #tpu.memory_space<hbm>> -> memref<10240x128xf32, #tpu.memory_space<hbm>>
      tpu.enqueue_indirect_dma source(%dma_start3A_38 : memref<10240x128xf32, #tpu.memory_space<hbm>>) target(%arg10 : memref<128x128xf32, #tpu.memory_space<vmem>>) offsets(%dma_start3A_35 : memref<128xi32, #tpu.memory_space<vmem>>) semaphore(%arg13 : memref<!tpu.dma_semaphore, #tpu.memory_space<semaphore_mem>>)
      %dma_wait3A = arith.constant 0 : i32
      %dma_wait3A_39 = tpu.memref_slice %arg8[%add3A_33, %dma_wait3A] : memref<102x128xi32, #tpu.memory_space<vmem>> -> memref<1x128xi32, #tpu.memory_space<vmem>>
      %dma_wait3A_40 = tpu.memref_squeeze %dma_wait3A_39 : memref<1x128xi32, #tpu.memory_space<vmem>> -> memref<128xi32, #tpu.memory_space<vmem>>
      %dma_wait3A_41 = arith.constant 0 : i32
      %dma_wait3A_42 = arith.constant 0 : i32
      %dma_wait3A_43 = tpu.memref_slice %arg2[%dma_wait3A_41, %dma_wait3A_42] : memref<10240x128xf32, #tpu.memory_space<hbm>> -> memref<10240x128xf32, #tpu.memory_space<hbm>>
      tpu.wait_indirect_dma semaphore(%arg13 : memref<!tpu.dma_semaphore, #tpu.memory_space<semaphore_mem>>) src(%dma_wait3A_43 : memref<10240x128xf32, #tpu.memory_space<hbm>>) dst(%arg10 : memref<128x128xf32, #tpu.memory_space<vmem>>)
      "tpu.region"() ({
        %run_scoped3A = tpu.sem_alloc : memref<!tpu.dma_semaphore, #tpu.memory_space<semaphore_mem>>
        %dma_start3A_44 = arith.constant 0 : i32
        %dma_start3A_45 = tpu.memref_slice %arg9[%add3A_33, %dma_start3A_44] : memref<102x128xi32, #tpu.memory_space<vmem>> -> memref<1x128xi32, #tpu.memory_space<vmem>>
        %dma_start3A_46 = tpu.memref_squeeze %dma_start3A_45 : memref<1x128xi32, #tpu.memory_space<vmem>> -> memref<128xi32, #tpu.memory_space<vmem>>
        %dma_start3A_47 = arith.constant 0 : i32
        %dma_start3A_48 = arith.constant 0 : i32
        %dma_start3A_49 = tpu.memref_slice %arg12[%dma_start3A_47, %dma_start3A_48] : memref<10240x128xf32, #tpu.memory_space<vmem_shared>> -> memref<10240x128xf32, #tpu.memory_space<vmem_shared>>
        tpu.enqueue_indirect_dma source(%arg10 : memref<128x128xf32, #tpu.memory_space<vmem>>) target(%dma_start3A_49 : memref<10240x128xf32, #tpu.memory_space<vmem_shared>>) offsets(%dma_start3A_46 : memref<128xi32, #tpu.memory_space<vmem>>) semaphore(%run_scoped3A : memref<!tpu.dma_semaphore, #tpu.memory_space<semaphore_mem>>) {add = true}
        %dma_wait3A_50 = arith.constant 0 : i32
        %dma_wait3A_51 = tpu.memref_slice %arg9[%add3A_33, %dma_wait3A_50] : memref<102x128xi32, #tpu.memory_space<vmem>> -> memref<1x128xi32, #tpu.memory_space<vmem>>
        %dma_wait3A_52 = tpu.memref_squeeze %dma_wait3A_51 : memref<1x128xi32, #tpu.memory_space<vmem>> -> memref<128xi32, #tpu.memory_space<vmem>>
        %dma_wait3A_53 = arith.constant 0 : i32
        %dma_wait3A_54 = arith.constant 0 : i32
        %dma_wait3A_55 = tpu.memref_slice %arg12[%dma_wait3A_53, %dma_wait3A_54] : memref<10240x128xf32, #tpu.memory_space<vmem_shared>> -> memref<10240x128xf32, #tpu.memory_space<vmem_shared>>
        tpu.wait_indirect_dma semaphore(%run_scoped3A : memref<!tpu.dma_semaphore, #tpu.memory_space<semaphore_mem>>) src(%arg10 : memref<128x128xf32, #tpu.memory_space<vmem>>) dst(%dma_wait3A_55 : memref<10240x128xf32, #tpu.memory_space<vmem_shared>>)
        tpu.yield
      }) : () -> ()
    }
    %barrier3A_26 = arith.constant 0 : index
    tpu.barrier barrier_id(%barrier3A_26)
    %mul3A_27 = arith.constant 640 : i32
    %mul3A_28 = arith.muli %arg1, %mul3A_27 : i32
    %mul3A_29 = arith.constant 640 : i32
    %mul3A_30 = arith.muli %arg1, %mul3A_29 : i32
    "tpu.region"() ({
      %run_scoped3A = tpu.sem_alloc : memref<!tpu.dma_semaphore, #tpu.memory_space<semaphore_mem>>
      %dma_start3A = arith.constant 0 : i32
      %dma_start3A_31 = tpu.memref_slice %arg7[%arg0, %mul3A_30, %dma_start3A] : memref<2x10240x128xf32, #tpu.memory_space<hbm>> -> memref<1x640x128xf32, #tpu.memory_space<hbm>>
      %dma_start3A_32 = tpu.memref_squeeze %dma_start3A_31 : memref<1x640x128xf32, #tpu.memory_space<hbm>> -> memref<640x128xf32, #tpu.memory_space<hbm>>
      %dma_start3A_33 = arith.constant 0 : i32
      %dma_start3A_34 = tpu.memref_slice %arg12[%mul3A_28, %dma_start3A_33] : memref<10240x128xf32, #tpu.memory_space<vmem_shared>> -> memref<640x128xf32, #tpu.memory_space<vmem_shared>>
      tpu.enqueue_dma source(%dma_start3A_34 : memref<640x128xf32, #tpu.memory_space<vmem_shared>>) target(%dma_start3A_32 : memref<640x128xf32, #tpu.memory_space<hbm>>) target_semaphore(%run_scoped3A : memref<!tpu.dma_semaphore, #tpu.memory_space<semaphore_mem>>)
      %dma_wait3A = arith.constant 0 : i32
      %dma_wait3A_35 = tpu.memref_slice %arg7[%arg0, %mul3A_30, %dma_wait3A] : memref<2x10240x128xf32, #tpu.memory_space<hbm>> -> memref<1x640x128xf32, #tpu.memory_space<hbm>>
      %dma_wait3A_36 = tpu.memref_squeeze %dma_wait3A_35 : memref<1x640x128xf32, #tpu.memory_space<hbm>> -> memref<640x128xf32, #tpu.memory_space<hbm>>
      %dma_wait3A_37 = arith.constant 0 : i32
      %dma_wait3A_38 = tpu.memref_slice %arg12[%mul3A_28, %dma_wait3A_37] : memref<10240x128xf32, #tpu.memory_space<vmem_shared>> -> memref<640x128xf32, #tpu.memory_space<vmem_shared>>
      tpu.wait_dma2 semaphore(%run_scoped3A : memref<!tpu.dma_semaphore, #tpu.memory_space<semaphore_mem>>) src(%dma_wait3A_38 : memref<640x128xf32, #tpu.memory_space<vmem_shared>>) dst(%dma_wait3A_36 : memref<640x128xf32, #tpu.memory_space<hbm>>)
      tpu.yield
    }) : () -> ()
    return
  }
}

#map = affine_map<(d0, d1) -> (0, 0, 0)>
#map1 = affine_map<(d0, d1) -> (0)>
#map2 = affine_map<(d0, d1) -> (0, 0)>
module attributes {stable_mosaic.version = 14 : i64} {
  func.func @_sc_degree(%arg0: i32, %arg1: i32, %arg2: memref<32x102x128xi32, #tpu.memory_space<hbm>>, %arg3: memref<16xi32, #tpu.memory_space<hbm>>, %arg4: memref<128xf32, #tpu.memory_space<hbm>>, %arg5: memref<10240xf32, #tpu.memory_space<hbm>>, %arg6: memref<2x10240xf32, #tpu.memory_space<hbm>>, %arg7: memref<102x128xi32, #tpu.memory_space<vmem>>, %arg8: memref<128xf32, #tpu.memory_space<vmem>>, %arg9: memref<16xi32, #tpu.memory_space<vmem>>, %arg10: memref<10240xf32, #tpu.memory_space<vmem_shared>>) attributes {dimension_semantics = [#tpu.dimension_semantics<core_parallel>, #tpu.dimension_semantics<subcore_parallel>], iteration_bounds = array<i64: 2, 16>, scalar_prefetch = 0 : i64, scratch_operands = 4 : i64, tpu.core_type = #tpu.core_type<sc_vector_subcore>, window_params = [{transform_indices = #map}, {transform_indices = #map1}, {transform_indices = #map1}, {transform_indices = #map1}, {transform_indices = #map2}]} {
    %mul3A = arith.constant 2 : i32
    %mul3A_0 = arith.muli %arg1, %mul3A : i32
    %add3A = arith.addi %mul3A_0, %arg0 : i32
    "tpu.region"() ({
      %run_scoped3A = tpu.sem_alloc : memref<!tpu.dma_semaphore, #tpu.memory_space<semaphore_mem>>
      %dma_start3A = arith.constant 0 : i32
      %dma_start3A_31 = arith.constant 0 : i32
      %dma_start3A_32 = tpu.memref_slice %arg2[%add3A, %dma_start3A, %dma_start3A_31] : memref<32x102x128xi32, #tpu.memory_space<hbm>> -> memref<1x102x128xi32, #tpu.memory_space<hbm>>
      %dma_start3A_33 = tpu.memref_squeeze %dma_start3A_32 : memref<1x102x128xi32, #tpu.memory_space<hbm>> -> memref<102x128xi32, #tpu.memory_space<hbm>>
      %dma_start3A_34 = arith.constant 0 : i32
      %dma_start3A_35 = arith.constant 0 : i32
      %dma_start3A_36 = tpu.memref_slice %arg2[%add3A, %dma_start3A_34, %dma_start3A_35] : memref<32x102x128xi32, #tpu.memory_space<hbm>> -> memref<1x102x128xi32, #tpu.memory_space<hbm>>
      %dma_start3A_37 = tpu.memref_squeeze %dma_start3A_36 : memref<1x102x128xi32, #tpu.memory_space<hbm>> -> memref<102x128xi32, #tpu.memory_space<hbm>>
      tpu.enqueue_dma source(%dma_start3A_37 : memref<102x128xi32, #tpu.memory_space<hbm>>) target(%arg7 : memref<102x128xi32, #tpu.memory_space<vmem>>) target_semaphore(%run_scoped3A : memref<!tpu.dma_semaphore, #tpu.memory_space<semaphore_mem>>)
      %dma_wait3A = arith.constant 0 : i32
      %dma_wait3A_38 = arith.constant 0 : i32
      %dma_wait3A_39 = tpu.memref_slice %arg2[%add3A, %dma_wait3A, %dma_wait3A_38] : memref<32x102x128xi32, #tpu.memory_space<hbm>> -> memref<1x102x128xi32, #tpu.memory_space<hbm>>
      %dma_wait3A_40 = tpu.memref_squeeze %dma_wait3A_39 : memref<1x102x128xi32, #tpu.memory_space<hbm>> -> memref<102x128xi32, #tpu.memory_space<hbm>>
      %dma_wait3A_41 = arith.constant 0 : i32
      %dma_wait3A_42 = arith.constant 0 : i32
      %dma_wait3A_43 = tpu.memref_slice %arg2[%add3A, %dma_wait3A_41, %dma_wait3A_42] : memref<32x102x128xi32, #tpu.memory_space<hbm>> -> memref<1x102x128xi32, #tpu.memory_space<hbm>>
      %dma_wait3A_44 = tpu.memref_squeeze %dma_wait3A_43 : memref<1x102x128xi32, #tpu.memory_space<hbm>> -> memref<102x128xi32, #tpu.memory_space<hbm>>
      tpu.wait_dma2 semaphore(%run_scoped3A : memref<!tpu.dma_semaphore, #tpu.memory_space<semaphore_mem>>) src(%dma_wait3A_44 : memref<102x128xi32, #tpu.memory_space<hbm>>) dst(%arg7 : memref<102x128xi32, #tpu.memory_space<vmem>>)
      tpu.yield
    }) : () -> ()
    "tpu.region"() ({
      %run_scoped3A = tpu.sem_alloc : memref<!tpu.dma_semaphore, #tpu.memory_space<semaphore_mem>>
      tpu.enqueue_dma source(%arg3 : memref<16xi32, #tpu.memory_space<hbm>>) target(%arg9 : memref<16xi32, #tpu.memory_space<vmem>>) target_semaphore(%run_scoped3A : memref<!tpu.dma_semaphore, #tpu.memory_space<semaphore_mem>>)
      tpu.wait_dma2 semaphore(%run_scoped3A : memref<!tpu.dma_semaphore, #tpu.memory_space<semaphore_mem>>) src(%arg3 : memref<16xi32, #tpu.memory_space<hbm>>) dst(%arg9 : memref<16xi32, #tpu.memory_space<vmem>>)
      tpu.yield
    }) : () -> ()
    "tpu.region"() ({
      %run_scoped3A = tpu.sem_alloc : memref<!tpu.dma_semaphore, #tpu.memory_space<semaphore_mem>>
      tpu.enqueue_dma source(%arg4 : memref<128xf32, #tpu.memory_space<hbm>>) target(%arg8 : memref<128xf32, #tpu.memory_space<vmem>>) target_semaphore(%run_scoped3A : memref<!tpu.dma_semaphore, #tpu.memory_space<semaphore_mem>>)
      tpu.wait_dma2 semaphore(%run_scoped3A : memref<!tpu.dma_semaphore, #tpu.memory_space<semaphore_mem>>) src(%arg4 : memref<128xf32, #tpu.memory_space<hbm>>) dst(%arg8 : memref<128xf32, #tpu.memory_space<vmem>>)
      tpu.yield
    }) : () -> ()
    %mul3A_1 = arith.constant 640 : i32
    %mul3A_2 = arith.muli %arg1, %mul3A_1 : i32
    %mul3A_3 = arith.constant 640 : i32
    %mul3A_4 = arith.muli %arg1, %mul3A_3 : i32
    "tpu.region"() ({
      %run_scoped3A = tpu.sem_alloc : memref<!tpu.dma_semaphore, #tpu.memory_space<semaphore_mem>>
      %dma_start3A = tpu.memref_slice %arg10[%mul3A_4] : memref<10240xf32, #tpu.memory_space<vmem_shared>> -> memref<640xf32, #tpu.memory_space<vmem_shared>>
      %dma_start3A_31 = tpu.memref_slice %arg5[%mul3A_2] : memref<10240xf32, #tpu.memory_space<hbm>> -> memref<640xf32, #tpu.memory_space<hbm>>
      tpu.enqueue_dma source(%dma_start3A_31 : memref<640xf32, #tpu.memory_space<hbm>>) target(%dma_start3A : memref<640xf32, #tpu.memory_space<vmem_shared>>) target_semaphore(%run_scoped3A : memref<!tpu.dma_semaphore, #tpu.memory_space<semaphore_mem>>)
      %dma_wait3A = tpu.memref_slice %arg10[%mul3A_4] : memref<10240xf32, #tpu.memory_space<vmem_shared>> -> memref<640xf32, #tpu.memory_space<vmem_shared>>
      %dma_wait3A_32 = tpu.memref_slice %arg5[%mul3A_2] : memref<10240xf32, #tpu.memory_space<hbm>> -> memref<640xf32, #tpu.memory_space<hbm>>
      tpu.wait_dma2 semaphore(%run_scoped3A : memref<!tpu.dma_semaphore, #tpu.memory_space<semaphore_mem>>) src(%dma_wait3A_32 : memref<640xf32, #tpu.memory_space<hbm>>) dst(%dma_wait3A : memref<640xf32, #tpu.memory_space<vmem_shared>>)
      tpu.yield
    }) : () -> ()
    %barrier3A = arith.constant 0 : index
    tpu.barrier barrier_id(%barrier3A)
    %get3A = arith.constant 0 : index
    %get3A_5 = tpu.vector_load %arg9[%get3A] {strides = array<i32>} : memref<16xi32, #tpu.memory_space<vmem>>, vector<16xi32>,
    %get3A_6 = vector.shape_cast %get3A_5 : vector<16xi32> to vector<16xi32>
    %eq3A = arith.constant 0 : i32
    %eq3A_7 = arith.cmpi eq, %arg0, %eq3A : i32
    %slice3A = vector.extract_strided_slice %get3A_6 {offsets = [0], sizes = [1], strides = [1]} : vector<16xi32> to vector<1xi32>
    %squeeze3A = vector.extract %slice3A[0] : i32 from vector<1xi32>
    %slice3A_8 = vector.extract_strided_slice %get3A_6 {offsets = [1], sizes = [1], strides = [1]} : vector<16xi32> to vector<1xi32>
    %squeeze3A_9 = vector.extract %slice3A_8[0] : i32 from vector<1xi32>
    %select_n3A = arith.select %eq3A_7, %squeeze3A, %squeeze3A_9 : i32
    %sub3A = arith.constant 0 : i32
    %sub3A_10 = arith.subi %select_n3A, %sub3A : i32
    %sub3A_11 = arith.constant 1 : i32
    %sub3A_12 = arith.constant 1 : i32
    %sub3A_13 = arith.subi %sub3A_11, %sub3A_12 : i32
    %add3A_14 = arith.addi %sub3A_10, %sub3A_13 : i32
    %div3A = arith.constant 1 : i32
    %div3A_15 = arith.divsi %add3A_14, %div3A : i32
    %while3A = arith.constant 1 : i32
    %while3A_16 = arith.constant 0 : i32
    %while3A_17 = arith.constant 0 : i32
    %while3A_18 = arith.subi %div3A_15, %while3A_17 : i32
    %while3A_19 = arith.addi %while3A_17, %while3A_18 : i32
    %while3A_20 = arith.constant 1 : i32
    %while3A_21 = arith.divsi %while3A_18, %while3A_20 : i32
    %while3A_22 = arith.muli %while3A_21, %while3A_20 : i32
    %while3A_23 = arith.addi %while3A_17, %while3A_22 : i32
    %while3A_24 = arith.constant 1 : i32
    scf.for %while3A_31 = %while3A_17 to %while3A_23 step %while3A_24  : i32 {
      %mul3A_32 = arith.muli %while3A_31, %while3A : i32
      %add3A_33 = arith.addi %while3A_16, %mul3A_32 : i32
      "tpu.region"() ({
        %run_scoped3A = tpu.sem_alloc : memref<!tpu.dma_semaphore, #tpu.memory_space<semaphore_mem>>
        %dma_start3A = arith.constant 0 : i32
        %dma_start3A_34 = tpu.memref_slice %arg7[%add3A_33, %dma_start3A] : memref<102x128xi32, #tpu.memory_space<vmem>> -> memref<1x128xi32, #tpu.memory_space<vmem>>
        %dma_start3A_35 = tpu.memref_squeeze %dma_start3A_34 : memref<1x128xi32, #tpu.memory_space<vmem>> -> memref<128xi32, #tpu.memory_space<vmem>>
        %dma_start3A_36 = arith.constant 0 : i32
        %dma_start3A_37 = tpu.memref_slice %arg10[%dma_start3A_36] : memref<10240xf32, #tpu.memory_space<vmem_shared>> -> memref<10240xf32, #tpu.memory_space<vmem_shared>>
        tpu.enqueue_indirect_dma source(%arg8 : memref<128xf32, #tpu.memory_space<vmem>>) target(%dma_start3A_37 : memref<10240xf32, #tpu.memory_space<vmem_shared>>) offsets(%dma_start3A_35 : memref<128xi32, #tpu.memory_space<vmem>>) semaphore(%run_scoped3A : memref<!tpu.dma_semaphore, #tpu.memory_space<semaphore_mem>>) {add = true}
        %dma_wait3A = arith.constant 0 : i32
        %dma_wait3A_38 = tpu.memref_slice %arg7[%add3A_33, %dma_wait3A] : memref<102x128xi32, #tpu.memory_space<vmem>> -> memref<1x128xi32, #tpu.memory_space<vmem>>
        %dma_wait3A_39 = tpu.memref_squeeze %dma_wait3A_38 : memref<1x128xi32, #tpu.memory_space<vmem>> -> memref<128xi32, #tpu.memory_space<vmem>>
        %dma_wait3A_40 = arith.constant 0 : i32
        %dma_wait3A_41 = tpu.memref_slice %arg10[%dma_wait3A_40] : memref<10240xf32, #tpu.memory_space<vmem_shared>> -> memref<10240xf32, #tpu.memory_space<vmem_shared>>
        tpu.wait_indirect_dma semaphore(%run_scoped3A : memref<!tpu.dma_semaphore, #tpu.memory_space<semaphore_mem>>) src(%arg8 : memref<128xf32, #tpu.memory_space<vmem>>) dst(%dma_wait3A_41 : memref<10240xf32, #tpu.memory_space<vmem_shared>>)
        tpu.yield
      }) : () -> ()
    }
    %while3A_25 = arith.constant 1 : i32
    scf.for %while3A_31 = %while3A_23 to %while3A_19 step %while3A_25  : i32 {
      %mul3A_32 = arith.muli %while3A_31, %while3A : i32
      %add3A_33 = arith.addi %while3A_16, %mul3A_32 : i32
      "tpu.region"() ({
        %run_scoped3A = tpu.sem_alloc : memref<!tpu.dma_semaphore, #tpu.memory_space<semaphore_mem>>
        %dma_start3A = arith.constant 0 : i32
        %dma_start3A_34 = tpu.memref_slice %arg7[%add3A_33, %dma_start3A] : memref<102x128xi32, #tpu.memory_space<vmem>> -> memref<1x128xi32, #tpu.memory_space<vmem>>
        %dma_start3A_35 = tpu.memref_squeeze %dma_start3A_34 : memref<1x128xi32, #tpu.memory_space<vmem>> -> memref<128xi32, #tpu.memory_space<vmem>>
        %dma_start3A_36 = arith.constant 0 : i32
        %dma_start3A_37 = tpu.memref_slice %arg10[%dma_start3A_36] : memref<10240xf32, #tpu.memory_space<vmem_shared>> -> memref<10240xf32, #tpu.memory_space<vmem_shared>>
        tpu.enqueue_indirect_dma source(%arg8 : memref<128xf32, #tpu.memory_space<vmem>>) target(%dma_start3A_37 : memref<10240xf32, #tpu.memory_space<vmem_shared>>) offsets(%dma_start3A_35 : memref<128xi32, #tpu.memory_space<vmem>>) semaphore(%run_scoped3A : memref<!tpu.dma_semaphore, #tpu.memory_space<semaphore_mem>>) {add = true}
        %dma_wait3A = arith.constant 0 : i32
        %dma_wait3A_38 = tpu.memref_slice %arg7[%add3A_33, %dma_wait3A] : memref<102x128xi32, #tpu.memory_space<vmem>> -> memref<1x128xi32, #tpu.memory_space<vmem>>
        %dma_wait3A_39 = tpu.memref_squeeze %dma_wait3A_38 : memref<1x128xi32, #tpu.memory_space<vmem>> -> memref<128xi32, #tpu.memory_space<vmem>>
        %dma_wait3A_40 = arith.constant 0 : i32
        %dma_wait3A_41 = tpu.memref_slice %arg10[%dma_wait3A_40] : memref<10240xf32, #tpu.memory_space<vmem_shared>> -> memref<10240xf32, #tpu.memory_space<vmem_shared>>
        tpu.wait_indirect_dma semaphore(%run_scoped3A : memref<!tpu.dma_semaphore, #tpu.memory_space<semaphore_mem>>) src(%arg8 : memref<128xf32, #tpu.memory_space<vmem>>) dst(%dma_wait3A_41 : memref<10240xf32, #tpu.memory_space<vmem_shared>>)
        tpu.yield
      }) : () -> ()
    }
    %barrier3A_26 = arith.constant 0 : index
    tpu.barrier barrier_id(%barrier3A_26)
    %mul3A_27 = arith.constant 640 : i32
    %mul3A_28 = arith.muli %arg1, %mul3A_27 : i32
    %mul3A_29 = arith.constant 640 : i32
    %mul3A_30 = arith.muli %arg1, %mul3A_29 : i32
    "tpu.region"() ({
      %run_scoped3A = tpu.sem_alloc : memref<!tpu.dma_semaphore, #tpu.memory_space<semaphore_mem>>
      %dma_start3A = tpu.memref_slice %arg6[%arg0, %mul3A_30] : memref<2x10240xf32, #tpu.memory_space<hbm>> -> memref<1x640xf32, #tpu.memory_space<hbm>>
      %dma_start3A_31 = tpu.memref_squeeze %dma_start3A : memref<1x640xf32, #tpu.memory_space<hbm>> -> memref<640xf32, #tpu.memory_space<hbm>>
      %dma_start3A_32 = tpu.memref_slice %arg10[%mul3A_28] : memref<10240xf32, #tpu.memory_space<vmem_shared>> -> memref<640xf32, #tpu.memory_space<vmem_shared>>
      tpu.enqueue_dma source(%dma_start3A_32 : memref<640xf32, #tpu.memory_space<vmem_shared>>) target(%dma_start3A_31 : memref<640xf32, #tpu.memory_space<hbm>>) target_semaphore(%run_scoped3A : memref<!tpu.dma_semaphore, #tpu.memory_space<semaphore_mem>>)
      %dma_wait3A = tpu.memref_slice %arg6[%arg0, %mul3A_30] : memref<2x10240xf32, #tpu.memory_space<hbm>> -> memref<1x640xf32, #tpu.memory_space<hbm>>
      %dma_wait3A_33 = tpu.memref_squeeze %dma_wait3A : memref<1x640xf32, #tpu.memory_space<hbm>> -> memref<640xf32, #tpu.memory_space<hbm>>
      %dma_wait3A_34 = tpu.memref_slice %arg10[%mul3A_28] : memref<10240xf32, #tpu.memory_space<vmem_shared>> -> memref<640xf32, #tpu.memory_space<vmem_shared>>
      tpu.wait_dma2 semaphore(%run_scoped3A : memref<!tpu.dma_semaphore, #tpu.memory_space<semaphore_mem>>) src(%dma_wait3A_34 : memref<640xf32, #tpu.memory_space<vmem_shared>>) dst(%dma_wait3A_33 : memref<640xf32, #tpu.memory_space<hbm>>)
      tpu.yield
    }) : () -> ()
    return
  }
}

#map = affine_map<(d0, d1) -> (0, 0)>
#map1 = affine_map<(d0, d1) -> (0, 0, 0)>
#map2 = affine_map<(d0, d1) -> (0)>
module attributes {stable_mosaic.version = 14 : i64} {
  func.func @_sc_hop(%arg0: i32, %arg1: i32, %arg2: memref<10240x128xf32, #tpu.memory_space<hbm>>, %arg3: memref<32x102x128xi32, #tpu.memory_space<hbm>>, %arg4: memref<32x102x128xi32, #tpu.memory_space<hbm>>, %arg5: memref<16xi32, #tpu.memory_space<hbm>>, %arg6: memref<10240x128xf32, #tpu.memory_space<hbm>>, %arg7: memref<2x10240x128xf32, #tpu.memory_space<hbm>>, %arg8: memref<102x128xi32, #tpu.memory_space<vmem>>, %arg9: memref<102x128xi32, #tpu.memory_space<vmem>>, %arg10: memref<128x128xf32, #tpu.memory_space<vmem>>, %arg11: memref<16xi32, #tpu.memory_space<vmem>>, %arg12: memref<10240x128xf32, #tpu.memory_space<vmem_shared>>, %arg13: memref<!tpu.dma_semaphore, #tpu.memory_space<semaphore_mem>>) attributes {dimension_semantics = [#tpu.dimension_semantics<core_parallel>, #tpu.dimension_semantics<subcore_parallel>], iteration_bounds = array<i64: 2, 16>, scalar_prefetch = 0 : i64, scratch_operands = 6 : i64, tpu.core_type = #tpu.core_type<sc_vector_subcore>, window_params = [{transform_indices = #map}, {transform_indices = #map1}, {transform_indices = #map1}, {transform_indices = #map2}, {transform_indices = #map}, {transform_indices = #map1}]} {
    %mul3A = arith.constant 2 : i32
    %mul3A_0 = arith.muli %arg1, %mul3A : i32
    %add3A = arith.addi %mul3A_0, %arg0 : i32
    "tpu.region"() ({
      %run_scoped3A = tpu.sem_alloc : memref<!tpu.dma_semaphore, #tpu.memory_space<semaphore_mem>>
      %dma_start3A = arith.constant 0 : i32
      %dma_start3A_31 = arith.constant 0 : i32
      %dma_start3A_32 = tpu.memref_slice %arg3[%add3A, %dma_start3A, %dma_start3A_31] : memref<32x102x128xi32, #tpu.memory_space<hbm>> -> memref<1x102x128xi32, #tpu.memory_space<hbm>>
      %dma_start3A_33 = tpu.memref_squeeze %dma_start3A_32 : memref<1x102x128xi32, #tpu.memory_space<hbm>> -> memref<102x128xi32, #tpu.memory_space<hbm>>
      %dma_start3A_34 = arith.constant 0 : i32
      %dma_start3A_35 = arith.constant 0 : i32
      %dma_start3A_36 = tpu.memref_slice %arg3[%add3A, %dma_start3A_34, %dma_start3A_35] : memref<32x102x128xi32, #tpu.memory_space<hbm>> -> memref<1x102x128xi32, #tpu.memory_space<hbm>>
      %dma_start3A_37 = tpu.memref_squeeze %dma_start3A_36 : memref<1x102x128xi32, #tpu.memory_space<hbm>> -> memref<102x128xi32, #tpu.memory_space<hbm>>
      tpu.enqueue_dma source(%dma_start3A_37 : memref<102x128xi32, #tpu.memory_space<hbm>>) target(%arg8 : memref<102x128xi32, #tpu.memory_space<vmem>>) target_semaphore(%run_scoped3A : memref<!tpu.dma_semaphore, #tpu.memory_space<semaphore_mem>>)
      %dma_wait3A = arith.constant 0 : i32
      %dma_wait3A_38 = arith.constant 0 : i32
      %dma_wait3A_39 = tpu.memref_slice %arg3[%add3A, %dma_wait3A, %dma_wait3A_38] : memref<32x102x128xi32, #tpu.memory_space<hbm>> -> memref<1x102x128xi32, #tpu.memory_space<hbm>>
      %dma_wait3A_40 = tpu.memref_squeeze %dma_wait3A_39 : memref<1x102x128xi32, #tpu.memory_space<hbm>> -> memref<102x128xi32, #tpu.memory_space<hbm>>
      %dma_wait3A_41 = arith.constant 0 : i32
      %dma_wait3A_42 = arith.constant 0 : i32
      %dma_wait3A_43 = tpu.memref_slice %arg3[%add3A, %dma_wait3A_41, %dma_wait3A_42] : memref<32x102x128xi32, #tpu.memory_space<hbm>> -> memref<1x102x128xi32, #tpu.memory_space<hbm>>
      %dma_wait3A_44 = tpu.memref_squeeze %dma_wait3A_43 : memref<1x102x128xi32, #tpu.memory_space<hbm>> -> memref<102x128xi32, #tpu.memory_space<hbm>>
      tpu.wait_dma2 semaphore(%run_scoped3A : memref<!tpu.dma_semaphore, #tpu.memory_space<semaphore_mem>>) src(%dma_wait3A_44 : memref<102x128xi32, #tpu.memory_space<hbm>>) dst(%arg8 : memref<102x128xi32, #tpu.memory_space<vmem>>)
      tpu.yield
    }) : () -> ()
    "tpu.region"() ({
      %run_scoped3A = tpu.sem_alloc : memref<!tpu.dma_semaphore, #tpu.memory_space<semaphore_mem>>
      %dma_start3A = arith.constant 0 : i32
      %dma_start3A_31 = arith.constant 0 : i32
      %dma_start3A_32 = tpu.memref_slice %arg4[%add3A, %dma_start3A, %dma_start3A_31] : memref<32x102x128xi32, #tpu.memory_space<hbm>> -> memref<1x102x128xi32, #tpu.memory_space<hbm>>
      %dma_start3A_33 = tpu.memref_squeeze %dma_start3A_32 : memref<1x102x128xi32, #tpu.memory_space<hbm>> -> memref<102x128xi32, #tpu.memory_space<hbm>>
      %dma_start3A_34 = arith.constant 0 : i32
      %dma_start3A_35 = arith.constant 0 : i32
      %dma_start3A_36 = tpu.memref_slice %arg4[%add3A, %dma_start3A_34, %dma_start3A_35] : memref<32x102x128xi32, #tpu.memory_space<hbm>> -> memref<1x102x128xi32, #tpu.memory_space<hbm>>
      %dma_start3A_37 = tpu.memref_squeeze %dma_start3A_36 : memref<1x102x128xi32, #tpu.memory_space<hbm>> -> memref<102x128xi32, #tpu.memory_space<hbm>>
      tpu.enqueue_dma source(%dma_start3A_37 : memref<102x128xi32, #tpu.memory_space<hbm>>) target(%arg9 : memref<102x128xi32, #tpu.memory_space<vmem>>) target_semaphore(%run_scoped3A : memref<!tpu.dma_semaphore, #tpu.memory_space<semaphore_mem>>)
      %dma_wait3A = arith.constant 0 : i32
      %dma_wait3A_38 = arith.constant 0 : i32
      %dma_wait3A_39 = tpu.memref_slice %arg4[%add3A, %dma_wait3A, %dma_wait3A_38] : memref<32x102x128xi32, #tpu.memory_space<hbm>> -> memref<1x102x128xi32, #tpu.memory_space<hbm>>
      %dma_wait3A_40 = tpu.memref_squeeze %dma_wait3A_39 : memref<1x102x128xi32, #tpu.memory_space<hbm>> -> memref<102x128xi32, #tpu.memory_space<hbm>>
      %dma_wait3A_41 = arith.constant 0 : i32
      %dma_wait3A_42 = arith.constant 0 : i32
      %dma_wait3A_43 = tpu.memref_slice %arg4[%add3A, %dma_wait3A_41, %dma_wait3A_42] : memref<32x102x128xi32, #tpu.memory_space<hbm>> -> memref<1x102x128xi32, #tpu.memory_space<hbm>>
      %dma_wait3A_44 = tpu.memref_squeeze %dma_wait3A_43 : memref<1x102x128xi32, #tpu.memory_space<hbm>> -> memref<102x128xi32, #tpu.memory_space<hbm>>
      tpu.wait_dma2 semaphore(%run_scoped3A : memref<!tpu.dma_semaphore, #tpu.memory_space<semaphore_mem>>) src(%dma_wait3A_44 : memref<102x128xi32, #tpu.memory_space<hbm>>) dst(%arg9 : memref<102x128xi32, #tpu.memory_space<vmem>>)
      tpu.yield
    }) : () -> ()
    "tpu.region"() ({
      %run_scoped3A = tpu.sem_alloc : memref<!tpu.dma_semaphore, #tpu.memory_space<semaphore_mem>>
      tpu.enqueue_dma source(%arg5 : memref<16xi32, #tpu.memory_space<hbm>>) target(%arg11 : memref<16xi32, #tpu.memory_space<vmem>>) target_semaphore(%run_scoped3A : memref<!tpu.dma_semaphore, #tpu.memory_space<semaphore_mem>>)
      tpu.wait_dma2 semaphore(%run_scoped3A : memref<!tpu.dma_semaphore, #tpu.memory_space<semaphore_mem>>) src(%arg5 : memref<16xi32, #tpu.memory_space<hbm>>) dst(%arg11 : memref<16xi32, #tpu.memory_space<vmem>>)
      tpu.yield
    }) : () -> ()
    %mul3A_1 = arith.constant 640 : i32
    %mul3A_2 = arith.muli %arg1, %mul3A_1 : i32
    %mul3A_3 = arith.constant 640 : i32
    %mul3A_4 = arith.muli %arg1, %mul3A_3 : i32
    "tpu.region"() ({
      %run_scoped3A = tpu.sem_alloc : memref<!tpu.dma_semaphore, #tpu.memory_space<semaphore_mem>>
      %dma_start3A = arith.constant 0 : i32
      %dma_start3A_31 = tpu.memref_slice %arg12[%mul3A_4, %dma_start3A] : memref<10240x128xf32, #tpu.memory_space<vmem_shared>> -> memref<640x128xf32, #tpu.memory_space<vmem_shared>>
      %dma_start3A_32 = arith.constant 0 : i32
      %dma_start3A_33 = tpu.memref_slice %arg6[%mul3A_2, %dma_start3A_32] : memref<10240x128xf32, #tpu.memory_space<hbm>> -> memref<640x128xf32, #tpu.memory_space<hbm>>
      tpu.enqueue_dma source(%dma_start3A_33 : memref<640x128xf32, #tpu.memory_space<hbm>>) target(%dma_start3A_31 : memref<640x128xf32, #tpu.memory_space<vmem_shared>>) target_semaphore(%run_scoped3A : memref<!tpu.dma_semaphore, #tpu.memory_space<semaphore_mem>>)
      %dma_wait3A = arith.constant 0 : i32
      %dma_wait3A_34 = tpu.memref_slice %arg12[%mul3A_4, %dma_wait3A] : memref<10240x128xf32, #tpu.memory_space<vmem_shared>> -> memref<640x128xf32, #tpu.memory_space<vmem_shared>>
      %dma_wait3A_35 = arith.constant 0 : i32
      %dma_wait3A_36 = tpu.memref_slice %arg6[%mul3A_2, %dma_wait3A_35] : memref<10240x128xf32, #tpu.memory_space<hbm>> -> memref<640x128xf32, #tpu.memory_space<hbm>>
      tpu.wait_dma2 semaphore(%run_scoped3A : memref<!tpu.dma_semaphore, #tpu.memory_space<semaphore_mem>>) src(%dma_wait3A_36 : memref<640x128xf32, #tpu.memory_space<hbm>>) dst(%dma_wait3A_34 : memref<640x128xf32, #tpu.memory_space<vmem_shared>>)
      tpu.yield
    }) : () -> ()
    %barrier3A = arith.constant 0 : index
    tpu.barrier barrier_id(%barrier3A)
    %get3A = arith.constant 0 : index
    %get3A_5 = tpu.vector_load %arg11[%get3A] {strides = array<i32>} : memref<16xi32, #tpu.memory_space<vmem>>, vector<16xi32>,
    %get3A_6 = vector.shape_cast %get3A_5 : vector<16xi32> to vector<16xi32>
    %eq3A = arith.constant 0 : i32
    %eq3A_7 = arith.cmpi eq, %arg0, %eq3A : i32
    %slice3A = vector.extract_strided_slice %get3A_6 {offsets = [0], sizes = [1], strides = [1]} : vector<16xi32> to vector<1xi32>
    %squeeze3A = vector.extract %slice3A[0] : i32 from vector<1xi32>
    %slice3A_8 = vector.extract_strided_slice %get3A_6 {offsets = [1], sizes = [1], strides = [1]} : vector<16xi32> to vector<1xi32>
    %squeeze3A_9 = vector.extract %slice3A_8[0] : i32 from vector<1xi32>
    %select_n3A = arith.select %eq3A_7, %squeeze3A, %squeeze3A_9 : i32
    %sub3A = arith.constant 0 : i32
    %sub3A_10 = arith.subi %select_n3A, %sub3A : i32
    %sub3A_11 = arith.constant 1 : i32
    %sub3A_12 = arith.constant 1 : i32
    %sub3A_13 = arith.subi %sub3A_11, %sub3A_12 : i32
    %add3A_14 = arith.addi %sub3A_10, %sub3A_13 : i32
    %div3A = arith.constant 1 : i32
    %div3A_15 = arith.divsi %add3A_14, %div3A : i32
    %while3A = arith.constant 1 : i32
    %while3A_16 = arith.constant 0 : i32
    %while3A_17 = arith.constant 0 : i32
    %while3A_18 = arith.subi %div3A_15, %while3A_17 : i32
    %while3A_19 = arith.addi %while3A_17, %while3A_18 : i32
    %while3A_20 = arith.constant 1 : i32
    %while3A_21 = arith.divsi %while3A_18, %while3A_20 : i32
    %while3A_22 = arith.muli %while3A_21, %while3A_20 : i32
    %while3A_23 = arith.addi %while3A_17, %while3A_22 : i32
    %while3A_24 = arith.constant 1 : i32
    scf.for %while3A_31 = %while3A_17 to %while3A_23 step %while3A_24  : i32 {
      %mul3A_32 = arith.muli %while3A_31, %while3A : i32
      %add3A_33 = arith.addi %while3A_16, %mul3A_32 : i32
      %dma_start3A = arith.constant 0 : i32
      %dma_start3A_34 = tpu.memref_slice %arg8[%add3A_33, %dma_start3A] : memref<102x128xi32, #tpu.memory_space<vmem>> -> memref<1x128xi32, #tpu.memory_space<vmem>>
      %dma_start3A_35 = tpu.memref_squeeze %dma_start3A_34 : memref<1x128xi32, #tpu.memory_space<vmem>> -> memref<128xi32, #tpu.memory_space<vmem>>
      %dma_start3A_36 = arith.constant 0 : i32
      %dma_start3A_37 = arith.constant 0 : i32
      %dma_start3A_38 = tpu.memref_slice %arg2[%dma_start3A_36, %dma_start3A_37] : memref<10240x128xf32, #tpu.memory_space<hbm>> -> memref<10240x128xf32, #tpu.memory_space<hbm>>
      tpu.enqueue_indirect_dma source(%dma_start3A_38 : memref<10240x128xf32, #tpu.memory_space<hbm>>) target(%arg10 : memref<128x128xf32, #tpu.memory_space<vmem>>) offsets(%dma_start3A_35 : memref<128xi32, #tpu.memory_space<vmem>>) semaphore(%arg13 : memref<!tpu.dma_semaphore, #tpu.memory_space<semaphore_mem>>)
      %dma_wait3A = arith.constant 0 : i32
      %dma_wait3A_39 = tpu.memref_slice %arg8[%add3A_33, %dma_wait3A] : memref<102x128xi32, #tpu.memory_space<vmem>> -> memref<1x128xi32, #tpu.memory_space<vmem>>
      %dma_wait3A_40 = tpu.memref_squeeze %dma_wait3A_39 : memref<1x128xi32, #tpu.memory_space<vmem>> -> memref<128xi32, #tpu.memory_space<vmem>>
      %dma_wait3A_41 = arith.constant 0 : i32
      %dma_wait3A_42 = arith.constant 0 : i32
      %dma_wait3A_43 = tpu.memref_slice %arg2[%dma_wait3A_41, %dma_wait3A_42] : memref<10240x128xf32, #tpu.memory_space<hbm>> -> memref<10240x128xf32, #tpu.memory_space<hbm>>
      tpu.wait_indirect_dma semaphore(%arg13 : memref<!tpu.dma_semaphore, #tpu.memory_space<semaphore_mem>>) src(%dma_wait3A_43 : memref<10240x128xf32, #tpu.memory_space<hbm>>) dst(%arg10 : memref<128x128xf32, #tpu.memory_space<vmem>>)
      "tpu.region"() ({
        %run_scoped3A = tpu.sem_alloc : memref<!tpu.dma_semaphore, #tpu.memory_space<semaphore_mem>>
        %dma_start3A_44 = arith.constant 0 : i32
        %dma_start3A_45 = tpu.memref_slice %arg9[%add3A_33, %dma_start3A_44] : memref<102x128xi32, #tpu.memory_space<vmem>> -> memref<1x128xi32, #tpu.memory_space<vmem>>
        %dma_start3A_46 = tpu.memref_squeeze %dma_start3A_45 : memref<1x128xi32, #tpu.memory_space<vmem>> -> memref<128xi32, #tpu.memory_space<vmem>>
        %dma_start3A_47 = arith.constant 0 : i32
        %dma_start3A_48 = arith.constant 0 : i32
        %dma_start3A_49 = tpu.memref_slice %arg12[%dma_start3A_47, %dma_start3A_48] : memref<10240x128xf32, #tpu.memory_space<vmem_shared>> -> memref<10240x128xf32, #tpu.memory_space<vmem_shared>>
        tpu.enqueue_indirect_dma source(%arg10 : memref<128x128xf32, #tpu.memory_space<vmem>>) target(%dma_start3A_49 : memref<10240x128xf32, #tpu.memory_space<vmem_shared>>) offsets(%dma_start3A_46 : memref<128xi32, #tpu.memory_space<vmem>>) semaphore(%run_scoped3A : memref<!tpu.dma_semaphore, #tpu.memory_space<semaphore_mem>>) {add = true}
        %dma_wait3A_50 = arith.constant 0 : i32
        %dma_wait3A_51 = tpu.memref_slice %arg9[%add3A_33, %dma_wait3A_50] : memref<102x128xi32, #tpu.memory_space<vmem>> -> memref<1x128xi32, #tpu.memory_space<vmem>>
        %dma_wait3A_52 = tpu.memref_squeeze %dma_wait3A_51 : memref<1x128xi32, #tpu.memory_space<vmem>> -> memref<128xi32, #tpu.memory_space<vmem>>
        %dma_wait3A_53 = arith.constant 0 : i32
        %dma_wait3A_54 = arith.constant 0 : i32
        %dma_wait3A_55 = tpu.memref_slice %arg12[%dma_wait3A_53, %dma_wait3A_54] : memref<10240x128xf32, #tpu.memory_space<vmem_shared>> -> memref<10240x128xf32, #tpu.memory_space<vmem_shared>>
        tpu.wait_indirect_dma semaphore(%run_scoped3A : memref<!tpu.dma_semaphore, #tpu.memory_space<semaphore_mem>>) src(%arg10 : memref<128x128xf32, #tpu.memory_space<vmem>>) dst(%dma_wait3A_55 : memref<10240x128xf32, #tpu.memory_space<vmem_shared>>)
        tpu.yield
      }) : () -> ()
    }
    %while3A_25 = arith.constant 1 : i32
    scf.for %while3A_31 = %while3A_23 to %while3A_19 step %while3A_25  : i32 {
      %mul3A_32 = arith.muli %while3A_31, %while3A : i32
      %add3A_33 = arith.addi %while3A_16, %mul3A_32 : i32
      %dma_start3A = arith.constant 0 : i32
      %dma_start3A_34 = tpu.memref_slice %arg8[%add3A_33, %dma_start3A] : memref<102x128xi32, #tpu.memory_space<vmem>> -> memref<1x128xi32, #tpu.memory_space<vmem>>
      %dma_start3A_35 = tpu.memref_squeeze %dma_start3A_34 : memref<1x128xi32, #tpu.memory_space<vmem>> -> memref<128xi32, #tpu.memory_space<vmem>>
      %dma_start3A_36 = arith.constant 0 : i32
      %dma_start3A_37 = arith.constant 0 : i32
      %dma_start3A_38 = tpu.memref_slice %arg2[%dma_start3A_36, %dma_start3A_37] : memref<10240x128xf32, #tpu.memory_space<hbm>> -> memref<10240x128xf32, #tpu.memory_space<hbm>>
      tpu.enqueue_indirect_dma source(%dma_start3A_38 : memref<10240x128xf32, #tpu.memory_space<hbm>>) target(%arg10 : memref<128x128xf32, #tpu.memory_space<vmem>>) offsets(%dma_start3A_35 : memref<128xi32, #tpu.memory_space<vmem>>) semaphore(%arg13 : memref<!tpu.dma_semaphore, #tpu.memory_space<semaphore_mem>>)
      %dma_wait3A = arith.constant 0 : i32
      %dma_wait3A_39 = tpu.memref_slice %arg8[%add3A_33, %dma_wait3A] : memref<102x128xi32, #tpu.memory_space<vmem>> -> memref<1x128xi32, #tpu.memory_space<vmem>>
      %dma_wait3A_40 = tpu.memref_squeeze %dma_wait3A_39 : memref<1x128xi32, #tpu.memory_space<vmem>> -> memref<128xi32, #tpu.memory_space<vmem>>
      %dma_wait3A_41 = arith.constant 0 : i32
      %dma_wait3A_42 = arith.constant 0 : i32
      %dma_wait3A_43 = tpu.memref_slice %arg2[%dma_wait3A_41, %dma_wait3A_42] : memref<10240x128xf32, #tpu.memory_space<hbm>> -> memref<10240x128xf32, #tpu.memory_space<hbm>>
      tpu.wait_indirect_dma semaphore(%arg13 : memref<!tpu.dma_semaphore, #tpu.memory_space<semaphore_mem>>) src(%dma_wait3A_43 : memref<10240x128xf32, #tpu.memory_space<hbm>>) dst(%arg10 : memref<128x128xf32, #tpu.memory_space<vmem>>)
      "tpu.region"() ({
        %run_scoped3A = tpu.sem_alloc : memref<!tpu.dma_semaphore, #tpu.memory_space<semaphore_mem>>
        %dma_start3A_44 = arith.constant 0 : i32
        %dma_start3A_45 = tpu.memref_slice %arg9[%add3A_33, %dma_start3A_44] : memref<102x128xi32, #tpu.memory_space<vmem>> -> memref<1x128xi32, #tpu.memory_space<vmem>>
        %dma_start3A_46 = tpu.memref_squeeze %dma_start3A_45 : memref<1x128xi32, #tpu.memory_space<vmem>> -> memref<128xi32, #tpu.memory_space<vmem>>
        %dma_start3A_47 = arith.constant 0 : i32
        %dma_start3A_48 = arith.constant 0 : i32
        %dma_start3A_49 = tpu.memref_slice %arg12[%dma_start3A_47, %dma_start3A_48] : memref<10240x128xf32, #tpu.memory_space<vmem_shared>> -> memref<10240x128xf32, #tpu.memory_space<vmem_shared>>
        tpu.enqueue_indirect_dma source(%arg10 : memref<128x128xf32, #tpu.memory_space<vmem>>) target(%dma_start3A_49 : memref<10240x128xf32, #tpu.memory_space<vmem_shared>>) offsets(%dma_start3A_46 : memref<128xi32, #tpu.memory_space<vmem>>) semaphore(%run_scoped3A : memref<!tpu.dma_semaphore, #tpu.memory_space<semaphore_mem>>) {add = true}
        %dma_wait3A_50 = arith.constant 0 : i32
        %dma_wait3A_51 = tpu.memref_slice %arg9[%add3A_33, %dma_wait3A_50] : memref<102x128xi32, #tpu.memory_space<vmem>> -> memref<1x128xi32, #tpu.memory_space<vmem>>
        %dma_wait3A_52 = tpu.memref_squeeze %dma_wait3A_51 : memref<1x128xi32, #tpu.memory_space<vmem>> -> memref<128xi32, #tpu.memory_space<vmem>>
        %dma_wait3A_53 = arith.constant 0 : i32
        %dma_wait3A_54 = arith.constant 0 : i32
        %dma_wait3A_55 = tpu.memref_slice %arg12[%dma_wait3A_53, %dma_wait3A_54] : memref<10240x128xf32, #tpu.memory_space<vmem_shared>> -> memref<10240x128xf32, #tpu.memory_space<vmem_shared>>
        tpu.wait_indirect_dma semaphore(%run_scoped3A : memref<!tpu.dma_semaphore, #tpu.memory_space<semaphore_mem>>) src(%arg10 : memref<128x128xf32, #tpu.memory_space<vmem>>) dst(%dma_wait3A_55 : memref<10240x128xf32, #tpu.memory_space<vmem_shared>>)
        tpu.yield
      }) : () -> ()
    }
    %barrier3A_26 = arith.constant 0 : index
    tpu.barrier barrier_id(%barrier3A_26)
    %mul3A_27 = arith.constant 640 : i32
    %mul3A_28 = arith.muli %arg1, %mul3A_27 : i32
    %mul3A_29 = arith.constant 640 : i32
    %mul3A_30 = arith.muli %arg1, %mul3A_29 : i32
    "tpu.region"() ({
      %run_scoped3A = tpu.sem_alloc : memref<!tpu.dma_semaphore, #tpu.memory_space<semaphore_mem>>
      %dma_start3A = arith.constant 0 : i32
      %dma_start3A_31 = tpu.memref_slice %arg7[%arg0, %mul3A_30, %dma_start3A] : memref<2x10240x128xf32, #tpu.memory_space<hbm>> -> memref<1x640x128xf32, #tpu.memory_space<hbm>>
      %dma_start3A_32 = tpu.memref_squeeze %dma_start3A_31 : memref<1x640x128xf32, #tpu.memory_space<hbm>> -> memref<640x128xf32, #tpu.memory_space<hbm>>
      %dma_start3A_33 = arith.constant 0 : i32
      %dma_start3A_34 = tpu.memref_slice %arg12[%mul3A_28, %dma_start3A_33] : memref<10240x128xf32, #tpu.memory_space<vmem_shared>> -> memref<640x128xf32, #tpu.memory_space<vmem_shared>>
      tpu.enqueue_dma source(%dma_start3A_34 : memref<640x128xf32, #tpu.memory_space<vmem_shared>>) target(%dma_start3A_32 : memref<640x128xf32, #tpu.memory_space<hbm>>) target_semaphore(%run_scoped3A : memref<!tpu.dma_semaphore, #tpu.memory_space<semaphore_mem>>)
      %dma_wait3A = arith.constant 0 : i32
      %dma_wait3A_35 = tpu.memref_slice %arg7[%arg0, %mul3A_30, %dma_wait3A] : memref<2x10240x128xf32, #tpu.memory_space<hbm>> -> memref<1x640x128xf32, #tpu.memory_space<hbm>>
      %dma_wait3A_36 = tpu.memref_squeeze %dma_wait3A_35 : memref<1x640x128xf32, #tpu.memory_space<hbm>> -> memref<640x128xf32, #tpu.memory_space<hbm>>
      %dma_wait3A_37 = arith.constant 0 : i32
      %dma_wait3A_38 = tpu.memref_slice %arg12[%mul3A_28, %dma_wait3A_37] : memref<10240x128xf32, #tpu.memory_space<vmem_shared>> -> memref<640x128xf32, #tpu.memory_space<vmem_shared>>
      tpu.wait_dma2 semaphore(%run_scoped3A : memref<!tpu.dma_semaphore, #tpu.memory_space<semaphore_mem>>) src(%dma_wait3A_38 : memref<640x128xf32, #tpu.memory_space<vmem_shared>>) dst(%dma_wait3A_36 : memref<640x128xf32, #tpu.memory_space<hbm>>)
      tpu.yield
    }) : () -> ()
    return
  }
}

module attributes {stable_mosaic.version = 14 : i64} {
  func.func @_tc_scale_in_body(%arg0: i32, %arg1: memref<2x1280xf32, #tpu.memory_space<vmem>>, %arg2: memref<1280x128xf32, #tpu.memory_space<vmem>>, %arg3: memref<1280x128xf32, #tpu.memory_space<vmem>>) attributes {dimension_semantics = [#tpu.dimension_semantics<arbitrary>], iteration_bounds = array<i64: 8>, scalar_prefetch = 0 : i64, scratch_operands = 0 : i64, tpu.core_type = #tpu.core_type<tc>, window_params = [{transform_indices = @transform_0, window_bounds = array<i64: 2, 1280>}, {transform_indices = @transform_1, window_bounds = array<i64: 1280, 128>}, {transform_indices = @transform_2, window_bounds = array<i64: 1280, 128>}]} {
    %get3A = arith.constant 0 : index
    %get3A_0 = arith.constant 0 : index
    %get3A_1 = vector.load %arg1[%get3A, %get3A_0] : memref<2x1280xf32, #tpu.memory_space<vmem>>, vector<2x1280xf32>
    %slice3A = vector.extract_strided_slice %get3A_1 {offsets = [0, 0], sizes = [1, 1280], strides = [1, 1]} : vector<2x1280xf32> to vector<1x1280xf32>
    %squeeze3A = vector.shape_cast %slice3A : vector<1x1280xf32> to vector<1280xf32>
    %slice3A_2 = vector.extract_strided_slice %get3A_1 {offsets = [1, 0], sizes = [1, 1280], strides = [1, 1]} : vector<2x1280xf32> to vector<1x1280xf32>
    %squeeze3A_3 = vector.shape_cast %slice3A_2 : vector<1x1280xf32> to vector<1280xf32>
    %add3A = arith.addf %squeeze3A, %squeeze3A_3 : vector<1280xf32>
    %add3A_4 = arith.constant 1.000000e+00 : f32
    %add3A_5 = vector.broadcast %add3A_4 : f32 to vector<1280xf32>
    %add3A_6 = arith.addf %add3A, %add3A_5 : vector<1280xf32>
    %get3A_7 = arith.constant 0 : index
    %get3A_8 = arith.constant 0 : index
    %get3A_9 = vector.load %arg2[%get3A_7, %get3A_8] : memref<1280x128xf32, #tpu.memory_space<vmem>>, vector<1280x128xf32>
    %rsqrt3A = math.rsqrt %add3A_6 : vector<1280xf32>
    %broadcast_in_dim3A = vector.shape_cast %rsqrt3A : vector<1280xf32> to vector<1280x1xf32>
    %mul3A = vector.broadcast %broadcast_in_dim3A : vector<1280x1xf32> to vector<1280x128xf32>
    %mul3A_10 = arith.mulf %get3A_9, %mul3A : vector<1280x128xf32>
    %swap3A = arith.constant 0 : index
    %swap3A_11 = arith.constant 0 : index
    %swap3A_12 = vector.load %arg3[%swap3A, %swap3A_11] : memref<1280x128xf32, #tpu.memory_space<vmem>>, vector<1280x128xf32>
    tpu.vector_store %arg3[%swap3A, %swap3A_11], %mul3A_10 {strides = array<i32>} : memref<1280x128xf32, #tpu.memory_space<vmem>>, vector<1280x128xf32>,
    return
  }
  func.func @transform_0(%arg0: i32) -> (i32, i32) {
    %c0_i32 = arith.constant 0 : i32
    %c0_i32_0 = arith.constant 0 : i32
    return %c0_i32, %arg0 : i32, i32
  }
  func.func @transform_1(%arg0: i32) -> (i32, i32) {
    %c0_i32 = arith.constant 0 : i32
    %c0_i32_0 = arith.constant 0 : i32
    return %arg0, %c0_i32 : i32, i32
  }
  func.func @transform_2(%arg0: i32) -> (i32, i32) {
    %c0_i32 = arith.constant 0 : i32
    %c0_i32_0 = arith.constant 0 : i32
    return %arg0, %c0_i32 : i32, i32
  }
}

module attributes {stable_mosaic.version = 14 : i64} {
  func.func @_tc_mid_body(%arg0: i32, %arg1: memref<2x1280xf32, #tpu.memory_space<vmem>>, %arg2: memref<2x1280x128xf32, #tpu.memory_space<vmem>>, %arg3: memref<1280x128xf32, #tpu.memory_space<vmem>>, %arg4: memref<1280x128xf32, #tpu.memory_space<vmem>>) attributes {dimension_semantics = [#tpu.dimension_semantics<arbitrary>], iteration_bounds = array<i64: 8>, scalar_prefetch = 0 : i64, scratch_operands = 0 : i64, tpu.core_type = #tpu.core_type<tc>, window_params = [{transform_indices = @transform_0, window_bounds = array<i64: 2, 1280>}, {transform_indices = @transform_1, window_bounds = array<i64: 2, 1280, 128>}, {transform_indices = @transform_2, window_bounds = array<i64: 1280, 128>}, {transform_indices = @transform_3, window_bounds = array<i64: 1280, 128>}]} {
    %get3A = arith.constant 0 : index
    %get3A_0 = arith.constant 0 : index
    %get3A_1 = vector.load %arg1[%get3A, %get3A_0] : memref<2x1280xf32, #tpu.memory_space<vmem>>, vector<2x1280xf32>
    %slice3A = vector.extract_strided_slice %get3A_1 {offsets = [0, 0], sizes = [1, 1280], strides = [1, 1]} : vector<2x1280xf32> to vector<1x1280xf32>
    %squeeze3A = vector.shape_cast %slice3A : vector<1x1280xf32> to vector<1280xf32>
    %slice3A_2 = vector.extract_strided_slice %get3A_1 {offsets = [1, 0], sizes = [1, 1280], strides = [1, 1]} : vector<2x1280xf32> to vector<1x1280xf32>
    %squeeze3A_3 = vector.shape_cast %slice3A_2 : vector<1x1280xf32> to vector<1280xf32>
    %add3A = arith.addf %squeeze3A, %squeeze3A_3 : vector<1280xf32>
    %add3A_4 = arith.constant 1.000000e+00 : f32
    %add3A_5 = vector.broadcast %add3A_4 : f32 to vector<1280xf32>
    %add3A_6 = arith.addf %add3A, %add3A_5 : vector<1280xf32>
    %get3A_7 = arith.constant 0 : index
    %get3A_8 = arith.constant 0 : index
    %get3A_9 = arith.constant 0 : index
    %get3A_10 = vector.load %arg2[%get3A_7, %get3A_8, %get3A_9] : memref<2x1280x128xf32, #tpu.memory_space<vmem>>, vector<1x1280x128xf32>
    %get3A_11 = vector.shape_cast %get3A_10 : vector<1x1280x128xf32> to vector<1280x128xf32>
    %get3A_12 = arith.constant 1 : index
    %get3A_13 = arith.constant 0 : index
    %get3A_14 = arith.constant 0 : index
    %get3A_15 = vector.load %arg2[%get3A_12, %get3A_13, %get3A_14] : memref<2x1280x128xf32, #tpu.memory_space<vmem>>, vector<1x1280x128xf32>
    %get3A_16 = vector.shape_cast %get3A_15 : vector<1x1280x128xf32> to vector<1280x128xf32>
    %add3A_17 = arith.addf %get3A_11, %get3A_16 : vector<1280x128xf32>
    %get3A_18 = arith.constant 0 : index
    %get3A_19 = arith.constant 0 : index
    %get3A_20 = vector.load %arg3[%get3A_18, %get3A_19] : memref<1280x128xf32, #tpu.memory_space<vmem>>, vector<1280x128xf32>
    %add3A_21 = arith.addf %add3A_17, %get3A_20 : vector<1280x128xf32>
    %div3A = arith.constant 1.000000e+00 : f32
    %div3A_22 = vector.broadcast %div3A : f32 to vector<1280xf32>
    %div3A_23 = arith.divf %div3A_22, %add3A_6 : vector<1280xf32>
    %broadcast_in_dim3A = vector.shape_cast %div3A_23 : vector<1280xf32> to vector<1280x1xf32>
    %mul3A = vector.broadcast %broadcast_in_dim3A : vector<1280x1xf32> to vector<1280x128xf32>
    %mul3A_24 = arith.mulf %add3A_21, %mul3A : vector<1280x128xf32>
    %swap3A = arith.constant 0 : index
    %swap3A_25 = arith.constant 0 : index
    %swap3A_26 = vector.load %arg4[%swap3A, %swap3A_25] : memref<1280x128xf32, #tpu.memory_space<vmem>>, vector<1280x128xf32>
    tpu.vector_store %arg4[%swap3A, %swap3A_25], %mul3A_24 {strides = array<i32>} : memref<1280x128xf32, #tpu.memory_space<vmem>>, vector<1280x128xf32>,
    return
  }
  func.func @transform_0(%arg0: i32) -> (i32, i32) {
    %c0_i32 = arith.constant 0 : i32
    %c0_i32_0 = arith.constant 0 : i32
    return %c0_i32, %arg0 : i32, i32
  }
  func.func @transform_1(%arg0: i32) -> (i32, i32, i32) {
    %c0_i32 = arith.constant 0 : i32
    %c0_i32_0 = arith.constant 0 : i32
    %c0_i32_1 = arith.constant 0 : i32
    return %c0_i32, %arg0, %c0_i32_0 : i32, i32, i32
  }
  func.func @transform_2(%arg0: i32) -> (i32, i32) {
    %c0_i32 = arith.constant 0 : i32
    %c0_i32_0 = arith.constant 0 : i32
    return %arg0, %c0_i32 : i32, i32
  }
  func.func @transform_3(%arg0: i32) -> (i32, i32) {
    %c0_i32 = arith.constant 0 : i32
    %c0_i32_0 = arith.constant 0 : i32
    return %arg0, %c0_i32 : i32, i32
  }
}

module attributes {stable_mosaic.version = 14 : i64} {
  func.func @_tc_head_body(%arg0: i32, %arg1: memref<2x1280xf32, #tpu.memory_space<vmem>>, %arg2: memref<2x1280x128xf32, #tpu.memory_space<vmem>>, %arg3: memref<1280x128xf32, #tpu.memory_space<vmem>>, %arg4: memref<128x128xf32, #tpu.memory_space<vmem>>, %arg5: memref<1x128xf32, #tpu.memory_space<vmem>>, %arg6: memref<128x64xf32, #tpu.memory_space<vmem>>, %arg7: memref<1x64xf32, #tpu.memory_space<vmem>>, %arg8: memref<1280x64xf32, #tpu.memory_space<vmem>>) attributes {dimension_semantics = [#tpu.dimension_semantics<arbitrary>], iteration_bounds = array<i64: 8>, scalar_prefetch = 0 : i64, scratch_operands = 0 : i64, tpu.core_type = #tpu.core_type<tc>, window_params = [{transform_indices = @transform_0, window_bounds = array<i64: 2, 1280>}, {transform_indices = @transform_1, window_bounds = array<i64: 2, 1280, 128>}, {transform_indices = @transform_2, window_bounds = array<i64: 1280, 128>}, {pipeline_mode = #tpu.pipeline_mode<synchronous>, transform_indices = @transform_3, window_bounds = array<i64: 128, 128>}, {pipeline_mode = #tpu.pipeline_mode<synchronous>, transform_indices = @transform_4, window_bounds = array<i64: 1, 128>}, {pipeline_mode = #tpu.pipeline_mode<synchronous>, transform_indices = @transform_5, window_bounds = array<i64: 128, 64>}, {pipeline_mode = #tpu.pipeline_mode<synchronous>, transform_indices = @transform_6, window_bounds = array<i64: 1, 64>}, {transform_indices = @transform_7, window_bounds = array<i64: 1280, 64>}]} {
    %get3A = arith.constant 0 : index
    %get3A_0 = arith.constant 0 : index
    %get3A_1 = vector.load %arg1[%get3A, %get3A_0] : memref<2x1280xf32, #tpu.memory_space<vmem>>, vector<2x1280xf32>
    %slice3A = vector.extract_strided_slice %get3A_1 {offsets = [0, 0], sizes = [1, 1280], strides = [1, 1]} : vector<2x1280xf32> to vector<1x1280xf32>
    %squeeze3A = vector.shape_cast %slice3A : vector<1x1280xf32> to vector<1280xf32>
    %slice3A_2 = vector.extract_strided_slice %get3A_1 {offsets = [1, 0], sizes = [1, 1280], strides = [1, 1]} : vector<2x1280xf32> to vector<1x1280xf32>
    %squeeze3A_3 = vector.shape_cast %slice3A_2 : vector<1x1280xf32> to vector<1280xf32>
    %add3A = arith.addf %squeeze3A, %squeeze3A_3 : vector<1280xf32>
    %add3A_4 = arith.constant 1.000000e+00 : f32
    %add3A_5 = vector.broadcast %add3A_4 : f32 to vector<1280xf32>
    %add3A_6 = arith.addf %add3A, %add3A_5 : vector<1280xf32>
    %get3A_7 = arith.constant 0 : index
    %get3A_8 = arith.constant 0 : index
    %get3A_9 = arith.constant 0 : index
    %get3A_10 = vector.load %arg2[%get3A_7, %get3A_8, %get3A_9] : memref<2x1280x128xf32, #tpu.memory_space<vmem>>, vector<1x1280x128xf32>
    %get3A_11 = vector.shape_cast %get3A_10 : vector<1x1280x128xf32> to vector<1280x128xf32>
    %get3A_12 = arith.constant 1 : index
    %get3A_13 = arith.constant 0 : index
    %get3A_14 = arith.constant 0 : index
    %get3A_15 = vector.load %arg2[%get3A_12, %get3A_13, %get3A_14] : memref<2x1280x128xf32, #tpu.memory_space<vmem>>, vector<1x1280x128xf32>
    %get3A_16 = vector.shape_cast %get3A_15 : vector<1x1280x128xf32> to vector<1280x128xf32>
    %add3A_17 = arith.addf %get3A_11, %get3A_16 : vector<1280x128xf32>
    %get3A_18 = arith.constant 0 : index
    %get3A_19 = arith.constant 0 : index
    %get3A_20 = vector.load %arg3[%get3A_18, %get3A_19] : memref<1280x128xf32, #tpu.memory_space<vmem>>, vector<1280x128xf32>
    %add3A_21 = arith.addf %add3A_17, %get3A_20 : vector<1280x128xf32>
    %rsqrt3A = math.rsqrt %add3A_6 : vector<1280xf32>
    %broadcast_in_dim3A = vector.shape_cast %rsqrt3A : vector<1280xf32> to vector<1280x1xf32>
    %mul3A = vector.broadcast %broadcast_in_dim3A : vector<1280x1xf32> to vector<1280x128xf32>
    %mul3A_22 = arith.mulf %add3A_21, %mul3A : vector<1280x128xf32>
    %get3A_23 = arith.constant 0 : index
    %get3A_24 = arith.constant 0 : index
    %get3A_25 = vector.load %arg4[%get3A_23, %get3A_24] : memref<128x128xf32, #tpu.memory_space<vmem>>, vector<128x128xf32>
    %dot_general3A = arith.constant dense<0.000000e+00> : vector<1280x128xf32>
    %dot_general3A_26 = tpu.matmul %mul3A_22, %get3A_25, %dot_general3A {dimension_numbers = #tpu.dot_dimension_numbers<[1], [0], [0], [1], [0, 0, 1, 1], [], []>, transpose_lhs_hint = false} : vector<1280x128xf32>, vector<128x128xf32>, vector<1280x128xf32> -> vector<1280x128xf32>
    %get3A_27 = arith.constant 0 : index
    %get3A_28 = arith.constant 0 : index
    %get3A_29 = vector.load %arg5[%get3A_27, %get3A_28] : memref<1x128xf32, #tpu.memory_space<vmem>>, vector<1x128xf32>
    %add3A_30 = vector.broadcast %get3A_29 : vector<1x128xf32> to vector<1280x128xf32>
    %add3A_31 = arith.addf %dot_general3A_26, %add3A_30 : vector<1280x128xf32>
    %max3A = arith.constant 0.000000e+00 : f32
    %max3A_32 = vector.broadcast %max3A : f32 to vector<1280x128xf32>
    %max3A_33 = arith.maximumf %add3A_31, %max3A_32 : vector<1280x128xf32>
    %get3A_34 = arith.constant 0 : index
    %get3A_35 = arith.constant 0 : index
    %get3A_36 = vector.load %arg6[%get3A_34, %get3A_35] : memref<128x64xf32, #tpu.memory_space<vmem>>, vector<128x64xf32>
    %dot_general3A_37 = arith.constant dense<0.000000e+00> : vector<1280x64xf32>
    %dot_general3A_38 = tpu.matmul %max3A_33, %get3A_36, %dot_general3A_37 {dimension_numbers = #tpu.dot_dimension_numbers<[1], [0], [0], [1], [0, 0, 1, 1], [], []>, transpose_lhs_hint = false} : vector<1280x128xf32>, vector<128x64xf32>, vector<1280x64xf32> -> vector<1280x64xf32>
    %get3A_39 = arith.constant 0 : index
    %get3A_40 = arith.constant 0 : index
    %get3A_41 = vector.load %arg7[%get3A_39, %get3A_40] : memref<1x64xf32, #tpu.memory_space<vmem>>, vector<1x64xf32>
    %add3A_42 = vector.broadcast %get3A_41 : vector<1x64xf32> to vector<1280x64xf32>
    %add3A_43 = arith.addf %dot_general3A_38, %add3A_42 : vector<1280x64xf32>
    %swap3A = arith.constant 0 : index
    %swap3A_44 = arith.constant 0 : index
    %swap3A_45 = vector.load %arg8[%swap3A, %swap3A_44] : memref<1280x64xf32, #tpu.memory_space<vmem>>, vector<1280x64xf32>
    tpu.vector_store %arg8[%swap3A, %swap3A_44], %add3A_43 {strides = array<i32>} : memref<1280x64xf32, #tpu.memory_space<vmem>>, vector<1280x64xf32>,
    return
  }
  func.func @transform_0(%arg0: i32) -> (i32, i32) {
    %c0_i32 = arith.constant 0 : i32
    %c0_i32_0 = arith.constant 0 : i32
    return %c0_i32, %arg0 : i32, i32
  }
  func.func @transform_1(%arg0: i32) -> (i32, i32, i32) {
    %c0_i32 = arith.constant 0 : i32
    %c0_i32_0 = arith.constant 0 : i32
    %c0_i32_1 = arith.constant 0 : i32
    return %c0_i32, %arg0, %c0_i32_0 : i32, i32, i32
  }
  func.func @transform_2(%arg0: i32) -> (i32, i32) {
    %c0_i32 = arith.constant 0 : i32
    %c0_i32_0 = arith.constant 0 : i32
    return %arg0, %c0_i32 : i32, i32
  }
  func.func @transform_3(%arg0: i32) -> (i32, i32) {
    %c0_i32 = arith.constant 0 : i32
    %c0_i32_0 = arith.constant 0 : i32
    %c0_i32_1 = arith.constant 0 : i32
    return %c0_i32, %c0_i32_0 : i32, i32
  }
  func.func @transform_4(%arg0: i32) -> (i32, i32) {
    %c0_i32 = arith.constant 0 : i32
    %c0_i32_0 = arith.constant 0 : i32
    %c0_i32_1 = arith.constant 0 : i32
    return %c0_i32, %c0_i32_0 : i32, i32
  }
  func.func @transform_5(%arg0: i32) -> (i32, i32) {
    %c0_i32 = arith.constant 0 : i32
    %c0_i32_0 = arith.constant 0 : i32
    %c0_i32_1 = arith.constant 0 : i32
    return %c0_i32, %c0_i32_0 : i32, i32
  }
  func.func @transform_6(%arg0: i32) -> (i32, i32) {
    %c0_i32 = arith.constant 0 : i32
    %c0_i32_0 = arith.constant 0 : i32
    %c0_i32_1 = arith.constant 0 : i32
    return %c0_i32, %c0_i32_0 : i32, i32
  }
  func.func @transform_7(%arg0: i32) -> (i32, i32) {
    %c0_i32 = arith.constant 0 : i32
    %c0_i32_0 = arith.constant 0 : i32
    return %arg0, %c0_i32 : i32, i32
  }
}

</mosaic_0001>

<sc_bundles>
// kernel: kernel.11.cloned.1.call-start
scs
__scs_entry_jumppad:
0x0: {  	(pc) =	sbr.rel $0x88, $3  }
0x1: {  	(tag) =	ssettag $0x0;
	lr =	simm.s32 $0x1  }
0x2: {  	[smem:$0x3F9B] =	sst lr;
	_ =	strace $0xD0000000  }
0x3: {  	_ = 	snop  }
0x4: {  	_ = 	snop  }
0x5: {  	_ = 	snop  }
0x6: {  	_ = 	snop  }
0x7: {  	_ = 	snop  }
__scs_overlays_trampoline_lowered:
0x8: {  	[smem:$0x3FAA] =	sst s0  }
0x9: {  	[smem:$0x3FAB] =	sst s1  }
0xa: {  	[smem:$0x3FAC] =	sst s2  }
0xb: {  	[smem:$0x3FAD] =	sst s3  }
0xc: {  	[smem:$0x3FAE] =	sst s4  }
0xd: {  	[smem:$0x3FAF] =	sst s5  }
0xe: {  	[smem:$0x3FB0] =	sst s6  }
0xf: {  	[smem:$0x3FB1] =	sst s7  }
0x10: {  	[smem:$0x3FB2] =	sst s8  }
0x11: {  	[smem:$0x3FB3] =	sst s9;
	s0 =	simm.s32 @!p0 $0x0  }
0x12: {  	s1 =	sld [smem:$0x3F99];
	s0 =	simm.s32 @p0 $0x1  }
0x13: {  	[smem:$0x3FB4] =	sst s0;
	s0 =	simm.s32 @!p1 $0x0  }
0x14: {  	s2 =	sld [smem:$0x3F98];
	s0 =	simm.s32 @p1 $0x1  }
0x15: {  	[smem:$0x3FB5] =	sst s0;
	s0 =	simm.s32 @!p2 $0x0  }
0x16: {  	s3 =	sld [smem:$0x3FDB];
	s0 =	simm.s32 @p2 $0x1  }
0x17: {  	s4 =	simm.s32 $0x1BF5;
	[smem:$0x3FB7] =	sst s0  }
0x18: {  	s0 =	sld [smem:$0x3F9A];
	_ =	swait.ge [sflag:s4], $0x0  }
0x19: {  	s7 =	sld [smem:$0x3F9B]  }
0x1a: {  	s8 =	sadd.s32 $0xFFFFE003, lr  }
0x1b: {  	s9 =	sadd.s32 $0xFFFFFEF7, lr;
	s5 =	simm.s32 $0xFFFFFFFF;
	p2 =	slt.u32 s8, $0xFFFFF086  }
0x1c: {  	p1 =	slt.u32 s9, $0xF7A;
	s5 =	simm.s32 @!p2 $0x0  }
0x1d: {  	s5 =	simm.s32 @p1 $0x1;
	p0 =	seq.s32 s7, s2  }
0x1e: {  	s7 =	smul.u32 @!p0 $0xF7A, s2;
	p2 =	seq.s32 @!p0 s5, $0x0  }
0x1f: {  	s9 =	smul.u32 $0xF7A, s1;
	s8 =	simm.s32 @!p0 $0x1BF5;
	p2 =	por !p2, p0  }
0x20: {  	[sflag:s8] =	ssyncset.s32 @!p0 $0xFFFFF086;
	s6 =	sadd.s32 @!p0 s3, s7;
	s7 =	simm.s32 @!p0 $0x108  }
0x21: {  	s3 =	sadd.s32 s3, s9;
	s6 =	sadd.s32 @!p0 $0x88, s6;
	s7 =	simm.s32 @p2 $0x1082  }
0x22: {  	[simem:s7], [sflag:s8] =	dma.local @!p0 [hbm:s6], $0xF7A  }
0x23: {  	s9 =	sor.u32 $0xD0000000, s2;
	s6 =	simm.s32 $0x108;
	_ =	swait.ge @!p0 [sflag:s8], $0x0  }
0x24: {  	s3 =	sadd.s32 $0x88, s3;
	s6 =	simm.s32 @!p1 $0x1082;
	[sflag:s4] =	ssyncset.s32 $0xFFFFF086  }
0x25: {  	[simem:s6], [sflag:s4] =	dma.local [hbm:s3], $0xF7A  }
0x26: {  	[smem:$0x3F9B] =	sst s1;
	(tag) =	ssettag s2;
	_ =	strace s9  }
0x27: {  	s1 =	sld [smem:$0x3FAB]  }
0x28: {  	s2 =	sld [smem:$0x3FAC]  }
0x29: {  	s4 =	sld [smem:$0x3FAE]  }
0x2a: {  	p0 =	seq.s32 s5, $0x0;
	s5 =	sld [smem:$0x3FAF]  }
0x2b: {  	s6 =	sld [smem:$0x3FB0]  }
0x2c: {  	s7 =	sld [smem:$0x3FB1]  }
0x2d: {  	s3 =	simm.s32 $0x108;
	s8 =	sld [smem:$0x3FB2]  }
0x2e: {  	s3 =	simm.s32 @!p0 $0x1082;
	s9 =	sld [smem:$0x3FB3]  }
0x2f: {  	lr =	sadd.s32 s0, s3;
	s0 =	sld [smem:$0x3FAA]  }
0x30: {  	s3 =	sld [smem:$0x3FAD]  }
0x31: {  	[smem:$0x3FB6] =	sst s10  }
0x32: {  	s10 =	sld [smem:$0x3FB4];
	_ =	sdelay $0x3  }
0x33: {  	p0 =	seq.s32 s10, $0x1;
	s10 =	sld [smem:$0x3FB6];
	_ =	sdelay $0x3  }
0x34: {  	[smem:$0x3FB6] =	sst s10  }
0x35: {  	s10 =	sld [smem:$0x3FB5];
	_ =	sdelay $0x3  }
0x36: {  	p1 =	seq.s32 s10, $0x1;
	s10 =	sld [smem:$0x3FB6];
	_ =	sdelay $0x3  }
0x37: {  	[smem:$0x3FB6] =	sst s10  }
0x38: {  	s10 =	sld [smem:$0x3FB7]  }
0x39: {  	_ = 	snop;
	(pc) =	sbr.ind lr, $3  }
0x3a: {  	_ = 	snop  }
0x3b: {  	_ = 	snop  }
0x3c: {  	p2 =	seq.s32 s10, $0x1;
	s10 =	sld [smem:$0x3FB6]  }
0x3d: {  	_ =	shalt  }
0x3e: {  	_ =	shalt  }
0x3f: {  	_ =	shalt  }
0x40: {  	_ =	shalt  }
0x41: {  	_ =	shalt  }
0x42: {  	_ =	shalt  }
0x43: {  	_ =	shalt  }
0x44: {  	_ =	shalt  }
0x45: {  	_ =	shalt  }
0x46: {  	_ =	shalt  }
0x47: {  	_ =	shalt  }
0x48: {  	_ =	shalt  }
0x49: {  	_ =	shalt  }
0x4a: {  	_ =	shalt  }
0x4b: {  	_ =	shalt  }
0x4c: {  	_ =	shalt  }
0x4d: {  	_ =	shalt  }
0x4e: {  	_ =	shalt  }
0x4f: {  	_ =	shalt  }
0x50: {  	_ =	shalt  }
0x51: {  	_ =	shalt  }
0x52: {  	_ =	shalt  }
0x53: {  	_ =	shalt  }
0x54: {  	_ =	shalt  }
0x55: {  	_ =	shalt  }
0x56: {  	_ =	shalt  }
0x57: {  	_ =	shalt  }
0x58: {  	_ =	shalt  }
0x59: {  	_ =	shalt  }
0x5a: {  	_ =	shalt  }
0x5b: {  	_ =	shalt  }
0x5c: {  	_ =	shalt  }
0x5d: {  	_ =	shalt  }
0x5e: {  	_ =	shalt  }
0x5f: {  	_ =	shalt  }
0x60: {  	_ =	shalt  }
0x61: {  	_ =	shalt  }
0x62: {  	_ =	shalt  }
0x63: {  	_ =	shalt  }
0x64: {  	_ =	shalt  }
0x65: {  	_ =	shalt  }
0x66: {  	_ =	shalt  }
0x67: {  	_ =	shalt  }
0x68: {  	_ =	shalt  }
0x69: {  	_ =	shalt  }
0x6a: {  	_ =	shalt  }
0x6b: {  	_ =	shalt  }
0x6c: {  	_ =	shalt  }
0x6d: {  	_ =	shalt  }
0x6e: {  	_ =	shalt  }
0x6f: {  	_ =	shalt  }
0x70: {  	_ =	shalt  }
0x71: {  	_ =	shalt  }
0x72: {  	_ =	shalt  }
0x73: {  	_ =	shalt  }
0x74: {  	_ =	shalt  }
0x75: {  	_ =	shalt  }
0x76: {  	_ =	shalt  }
0x77: {  	_ =	shalt  }
0x78: {  	_ =	shalt  }
0x79: {  	_ =	shalt  }
0x7a: {  	_ =	shalt  }
0x7b: {  	_ =	shalt  }
0x7c: {  	_ =	shalt  }
0x7d: {  	_ =	shalt  }
0x7e: {  	_ =	shalt  }
0x7f: {  	_ =	shalt  }
0x80: {  	_ =	shalt  }
0x81: {  	_ =	shalt  }
0x82: {  	_ =	shalt  }
0x83: {  	_ =	shalt  }
0x84: {  	_ =	shalt  }
0x85: {  	_ =	shalt  }
0x86: {  	_ =	shalt  }
0x87: {  	_ =	shalt  }
.Lfunc_end0:
.L_simem_size_0:
called_computation.1_lowered:
.L_overlay_start_0:
0x88: {  	s2 =	sld [smem:$0x3FD9]  }
0x89: {  	s3 =	sld [smem:$0x3FFE];
	_ =	sdelay $0x1  }
0x8a: {  	s1 =	srdreg.scid  }
0x8b: {  	s0 =	sand.u32 $0x1, s1  }
0x8c: {  	s17 =	sshll.u32 s0, $0xA;
	s2 =	sadd.s32 s3, s2  }
0x8d: {  	s2 =	sadd.s32 s2, s17  }
0x8e: {  	[smem:$0x3FC2] =	sst s2  }
0x8f: {  	_ = 	snop  }
0x90: {  	s2 =	sld [smem:$0x3FD0];
	(tm) =	ssettm $0x1  }
0x91: {  	s18 =	sld [smem:$0x3FFB];
	_ =	sdelay $0x3  }
0x92: {  	_ =	strace s18  }
0x93: {  	s3 =	sld [smem:$0x3FFC];
	_ =	sdelay $0x3  }
0x94: {  	_ =	strace s3  }
0x95: {  	s3 =	sld [smem:$0x3FFD];
	_ =	sdelay $0x3  }
0x96: {  	_ =	strace s3  }
0x97: {  	_ =	strace $0x8FFFFFFF  }
0x98: {  	s19 =	sld [smem:$0x3FDB];
	_ =	sdelay $0x1  }
0x99: {  	s4 =	simm.s32 $_scs_section_size  }
0x9a: {  	s5 =	simm.s32 $_size__tile_overlayer_lowered;
	s6 =	simm.s32 $_tile_overlayer_lowered  }
0x9b: {  	s22 =	simm.s32 $0x1BFF;
	s21 =	sshll.u32 s6, $0x1;
	s3 =	sadd.s32 s4, s19  }
0x9c: {  	s7 =	simm.s32 $0x0;
	s20 =	sshll.u32 s5, $0x1;
	s5 =	sadd.s32 s21, s3  }
0x9d: {  	[timem:s7], [sflag:s22] =	dma.local [hbm:s5], s20  }
0x9e: {  	_ =	swait.ge [sflag:s22], s20  }
0x9f: {  	s4 =	ssub.s32 $0x0, s20;
	[sflag:s22] =	ssyncset.done $0x0  }
0xa0: {  	[sflag:s22] =	ssyncadd.s32 s4;
	_ =	sdelay $0x1  }
0xa1: {  	s23 =	simm.s32 $0x1B8B  }
0xa2: {  	_ =	swait.ge [sflag:s23], $0x1  }
0xa3: {  	[sflag:s23] =	ssyncset.done $0x0  }
0xa4: {  	s25 =	simm.s32 $0x1B8E;
	s24 =	sld [smem:$0x3FFE];
	[sflag:s23] =	ssyncadd.s32 $0xFFFFFFFF  }
0xa5: {  	s26 =	simm.s32 $execute0_lowered;
	[smem:$0x3FD2] =	sst s25  }
0xa6: {  	s5 =	sshll.u32 s26, $0x1;
	_ =	strace $0x80000049;
	[dreg:$0x1] =	wrdreg $0xFFFFFFFF  }
0xa7: {  	s28 =	simm.s32 $_size_execute0_lowered;
	s3 =	sadd.s32 s3, s5;
	[dreg:$0x0] =	wrdreg $0x0  }
0xa8: {  	s5 =	sshll.u32 s28, $0x1;
	[dreg:$0x2] =	wrdreg s3  }
0xa9: {  	[dreg:$0x3] =	wrdreg s5  }
0xaa: {  	[dreg:$0x4] =	wrdreg $0xC0  }
0xab: {  	_ =	task [dreg:s7], $0x5FFFF  }
0xac: {  	[dreg:$0x1] =	wrdreg $0xFFFFFFFF  }
0xad: {  	[dreg:$0x0] =	wrdreg $0x60  }
0xae: {  	[dreg:$0x2] =	wrdreg s24  }
0xaf: {  	[dreg:$0x3] =	wrdreg s2  }
0xb0: {  	[dreg:$0x4] =	wrdreg $0xA8800  }
0xb1: {  	[dreg:$0x5] =	wrdreg $0x9  }
0xb2: {  	_ =	task.clear_ibuf [dreg:s7], $0x6FFFF;
	_ =	strace $0x90000049  }
0xb3: {  	s29 =	simm.s32 $0x9;
	_ =	strace $0x8000004B  }
0xb4: {  	_ =	swait.ge [sflag:s29], $0x1  }
0xb5: {  	[sflag:s29] =	ssyncadd.s32 $0xFFFFFFFF  }
0xb6: {  	_ =	strace $0x9000004B  }
0xb7: {  	_ =	sfence  }
0xb8: {  	s30 =	sld [smem:$0x0];
	_ =	sdelay $0x2  }
0xb9: {  	s31 =	sshll.u32 s1, $0xD;
	s1 =	sshrl.u32 s1, $0x2  }
0xba: {  	s3 =	sand.u32 $0x4000, s31;
	s1 =	sadd.s32 s1, s30  }
0xbb: {  	s0 =	sor.u32 s3, s0;
	s1 =	sshll.u32 s1, $0x11  }
0xbc: {  	s0 =	sor.u32 s1, s0  }
0xbd: {  	s0 =	sadd.s32 $0x8F2B, s0  }
0xbe: {  	[sflag:s0] =	ssyncadd.remote.s32 $0x1  }
0xbf: {  	_ =	sfence.sel $0xFFFF  }
0xc0: {  	[dreg:$0x0] =	wrdreg $0xFFFFFFFF;
	(pc) =	sbr.abs _section_cstart, $3  }
0xc1: {  	[dreg:$0x1] =	wrdreg $0xFFFFFFFF  }
0xc2: {  	_ =	task.clear_ibuf [dreg:s7], $0x2FFFF;
	_ =	strace $0x9FFFFFFF  }
0xc3: {  	(tm) =	ssettm $0x7FFFFFFF  }
tec
execute0_lowered:
.L_overlay_start_1:
0x0: {  	(tag) =	ssettag $0x1  }
0x1: {  	s6 =	rddreg [dreg:$0x0]  }
0x2: {  	s1 =	srdreg.scid;
	s7 =	rddreg [dreg:$0x1]  }
0x3: {  	s0 =	stileid.u32;
	s2 =	rddreg [dreg:$0x2];
	s3 =	simm.s32 $0x0  }
0x4: {  	s15 =	simm.s32 $0x80;
	s16 =	simm.s32 $0x6800;
	s17 =	simm.s32 $0x1  }
0x5: {  	s18 =	simm.s32 $0x0;
	s11 =	sand.u32 $0x1, s1;
	s26 =	sshll.u32 s0, $0x1  }
0x6: {  	s9 =	smul.u32 $0x14000, s0;
	[smem:$0x7FF] =	sst s3;
	s4 =	sadd.s32 $0x10600, s6  }
0x7: {  	s5 =	sadd.s32 $0x2000, s6;
	s14 =	smul.u32 $0x50000, s0;
	s31 =	sshll.u32 s0, $0x6  }
0x8: {  	s1 =	sor.u32 s11, s26;
	s10 =	smul.u32 $0x140000, s11;
	s28 =	ssub.s32 $0x2, s11  }
0x9: {  	p0 =	seq.s32 s11, $0x0;
	s11 =	simm.s32 $0x2;
	s8 =	smul.u32 $0x680, s1  }
0xa: {  	s1 =	rddreg [dreg:$0x3];
	_ =	strace $0x8000004A;
	s13 =	sshrl.u32 s9, $0x3  }
0xb: {  	s29 =	sshrl.u32 s28, $0x1;
	s30 =	sshrl.u32 s14, $0x2;
	s9 =	sadd.s32 s9, s10  }
.Ltmp0:
0xc: {  	s13 =	sadd.s32 s13, s6;
	s10 =	ssub.s32 s28, s29;
	(pc) =	sbr.rel .LBB2_1-.Ltmp0, $4  }
0xd: {  	s14 =	sadd.s32 s30, s2;
	s12 =	sadd.s32 s8, s6;
	s9 =	sshrl.u32 s9, $0x3  }
0xe: {  	s7 =	sadd.s32 s7, s8;
	s8 =	sadd.s32 $0x38600, s13;
	s10 =	smax.u32 s10, $0x1  }
0xf: {  	s13 =	sor.u32 $0x1C02, s31;
	s14 =	sshrl.u32 s14, $0x3;
	s9 =	sadd.s32 s9, s6  }
0x10: {  	s6 =	sadd.s32 $0x3600, s12;
	s12 =	simm.s32 $0xA800;
	s9 =	sadd.s32 $0x60600, s9  }
.LBB2_4:
0x11: {  	[sflag:s11] =	ssyncadd.s32 $0xFFFFC000  }
.LBB2_5:
0x12: {  	s18 =	sadd.s32 $0x1, s18  }
0x13: {  	p1 =	sne.s32 s18, s10  }
.Ltmp1:
0x14: {  	[bflag:$0x0] =	sbarrier.arrive $0xFFFF;
	(pc) =	sbr.rel @!p1 .LBB2_6-.Ltmp1, $4  }
0x15: {  	[hbm:s9], [sflag:s13] =	dma.local [spmem:s14], $0x2800  }
0x16: {  	_ =	swait.ge [sflag:s11], $0x2800  }
0x17: {  	[sflag:s11] =	ssyncset.done $0x0  }
0x18: {  	[sflag:s11] =	ssyncadd.s32 $0xFFFFD800  }
.LBB2_1:
0x19: {  	[tilespmem:s3], [sflag:$0x2] =	stream.linear.gather [hbm4b:s6+s3], $0x3300, $0x38;
	[tilespmem:$0x1E880] =	vst v63  }
0x1a: {  	_ =	swait.ge [sflag:s11], $0x3300  }
0x1b: {  	[sflag:s11] =	ssyncset.done $0x0  }
0x1c: {  	s19 =	simm.s32 $0x3400;
	[sflag:s11] =	ssyncadd.s32 $0xFFFFCD00  }
0x1d: {  	[tilespmem:s19], [sflag:$0x2] =	stream.linear.gather [hbm4b:s7+s3], $0x3300, $0x38;
	[tilespmem:$0x1E880] =	vst v63  }
0x1e: {  	_ =	swait.ge [sflag:s11], $0x3300  }
0x1f: {  	[sflag:s11] =	ssyncset.done $0x0  }
0x20: {  	[sflag:s11] =	ssyncadd.s32 $0xFFFFCD00  }
0x21: {  	[tilespmem:s12], [sflag:$0x2] =	stream.linear.gather [hbm4b:s5+s3], $0x80, $0x38;
	[tilespmem:$0x1E880] =	vst v63  }
0x22: {  	_ =	swait.ge [sflag:s11], $0x80  }
0x23: {  	[sflag:s11] =	ssyncset.done $0x0  }
0x24: {  	[sflag:s11] =	ssyncadd.s32 $0xFFFFFF80  }
0x25: {  	[spmem:s14], [sflag:s13] =	dma.local [hbm:s8], $0x2800  }
0x26: {  	_ =	swait.ge [sflag:s11], $0x2800  }
0x27: {  	[sflag:s11] =	ssyncset.done $0x0  }
0x28: {  	[sflag:s11] =	ssyncadd.s32 $0xFFFFD800  }
0x29: {  	[bflag:$0x0] =	sbarrier.arrive $0xFFFF  }
0x2a: {  	v0 =	vld [tilespmem:$0xA800];
	_ =	sdelay $0x4  }
0x2b: {  	(v2sf) =	vpush v0, $0x0  }
0x2c: {  	(v2sf) =	vpush v0, $0x1;
	_ =	sdelay $0xd  }
0x2d: {  	s21 =	spop (v2sf)  }
0x2e: {  	s20 =	spop (v2sf)  }
0x2f: {  	s20 =	smov.u32 @p0 s21  }
0x30: {  	p1 =	slt.s32 s20, $0x1  }
.Ltmp2:
0x31: {  	_ = 	snop;
	(pc) =	sbr.rel @p1 .LBB2_5-.Ltmp2, $1  }
0x32: {  	_ =	sdelay $0x3  }
0x33: {  	[tilespmem:s16], [sflag:$0x1] =	stream.indirect.gather [hbm4b:s4+s15], $0x80, s3, s15, $0xb8;
	[tilespmem:$0x1E880] =	vst v63  }
0x34: {  	p1 =	sne.s32 s20, $0x1;
	_ =	swait.ge [sflag:s17], $0x4000  }
.Ltmp3:
0x35: {  	[sflag:s17] =	ssyncset.done $0x0;
	(pc) =	sbr.rel @!p1 .LBB2_4-.Ltmp3, $4  }
0x36: {  	[sflag:s17] =	ssyncadd.s32 $0xFFFFC000  }
0x37: {  	[spmem:s2] =	stream.indirect.scatter.add.f32 [tilespmem:s16], [sflag:$0x2], $0x80, s19, s15, $0xb8;
	[tilespmem:$0x1E880] =	vst v63  }
0x38: {  	_ =	swait.ge [sflag:s11], $0x4000  }
0x39: {  	s20 =	sadd.s32 $0xFFFFFFFF, s20;
	s21 =	simm.s32 $0x0;
	[sflag:s11] =	ssyncset.done $0x0  }
.LBB2_3:
0x3a: {  	[sflag:s11] =	ssyncadd.s32 $0xFFFFC000;
	s21 =	sadd.s32 $0x80, s21;
	s19 =	sadd.s32 $0x80, s19  }
0x3b: {  	[tilespmem:s16], [sflag:$0x1] =	stream.indirect.gather [hbm4b:s4+s15], $0x80, s21, s15, $0xb8;
	[tilespmem:$0x1E880] =	vst v63  }
0x3c: {  	p1 =	sne.s32 s20, $0x1;
	s20 =	sadd.s32 $0xFFFFFFFF, s20;
	_ =	swait.ge [sflag:s17], $0x4000  }
.Ltmp4:
0x3d: {  	[sflag:s17] =	ssyncset.done $0x0;
	(pc) =	sbr.rel @p1 .LBB2_3-.Ltmp4, $4  }
0x3e: {  	[sflag:s17] =	ssyncadd.s32 $0xFFFFC000  }
0x3f: {  	[spmem:s2] =	stream.indirect.scatter.add.f32 [tilespmem:s16], [sflag:$0x2], $0x80, s19, s15, $0xb8;
	[tilespmem:$0x1E880] =	vst v63  }
0x40: {  	_ =	swait.ge [sflag:s11], $0x4000  }
0x41: {  	[sflag:s11] =	ssyncset.done $0x0  }
.Ltmp5:
0x42: {  	_ = 	snop;
	(pc) =	sbr.rel .LBB2_4-.Ltmp5, $1  }
0x43: {  	_ =	sdelay $0x3  }
.LBB2_6:
0x44: {  	_ =	sfence.sel $0x180000  }
0x45: {  	[bflag:$0x0] =	sbarrier.arrive $0xFFFF  }
0x46: {  	p0 =	sne.s32 s0, $0x0;
	_ =	strace $0x9000004A  }
0x47: {  	s0 =	sadd.s32 @!p0 $0x100000, s1;
	[bflag:$0x2] =	sbarrier.arrive $0xFFFF  }
0x48: {  	[sflag:s0] =	ssyncadd.tile.s32 @!p0 $0x1;
	_ =	shalt  }
.Lfunc_end2:
_tile_overlayer_lowered:
.L_overlay_start_2:
0x49: {  	(tag) =	ssettag $0x2  }
0x4a: {  	s0 =	rddreg [dreg:$0x0];
	s2 =	stileid.u32  }
0x4b: {  	s1 =	rddreg [dreg:$0x1];
	p0 =	sne.s32 s2, $0x0  }
0x4c: {  	s3 =	rddreg [dreg:$0x2];
	[bflag:$0x3] =	sbarrier.arrive $0xFFFF;
	s2 =	simm.s32 @!p0 $0x1C02  }
0x4d: {  	[timem:s3], [sflag:s2] =	dma.local @!p0 [hbm:s0], s1  }
0x4e: {  	s0 =	simm.s32 @!p0 $0x2  }
0x4f: {  	_ =	swait.ge @!p0 [sflag:s0], s1  }
0x50: {  	s1 =	ssub.s32 @!p0 $0x0, s1;
	[sflag:s0] =	ssyncset.done @!p0 $0x0  }
0x51: {  	[sflag:s0] =	ssyncadd.s32 @!p0 s1  }
0x52: {  	[bflag:$0x3] =	sbarrier.arrive $0xFFFF  }
0x53: {  	_ =	shalt  }

// kernel: kernel.14.cloned.1.call-start
scs
__scs_entry_jumppad:
0x0: {  	(pc) =	sbr.rel $0x88, $3  }
0x1: {  	(tag) =	ssettag $0x0;
	lr =	simm.s32 $0x1  }
0x2: {  	[smem:$0x3F9B] =	sst lr;
	_ =	strace $0xD0000000  }
0x3: {  	_ = 	snop  }
0x4: {  	_ = 	snop  }
0x5: {  	_ = 	snop  }
0x6: {  	_ = 	snop  }
0x7: {  	_ = 	snop  }
__scs_overlays_trampoline_lowered:
0x8: {  	[smem:$0x3FAA] =	sst s0  }
0x9: {  	[smem:$0x3FAB] =	sst s1  }
0xa: {  	[smem:$0x3FAC] =	sst s2  }
0xb: {  	[smem:$0x3FAD] =	sst s3  }
0xc: {  	[smem:$0x3FAE] =	sst s4  }
0xd: {  	[smem:$0x3FAF] =	sst s5  }
0xe: {  	[smem:$0x3FB0] =	sst s6  }
0xf: {  	[smem:$0x3FB1] =	sst s7  }
0x10: {  	[smem:$0x3FB2] =	sst s8  }
0x11: {  	[smem:$0x3FB3] =	sst s9;
	s0 =	simm.s32 @!p0 $0x0  }
0x12: {  	s1 =	sld [smem:$0x3F99];
	s0 =	simm.s32 @p0 $0x1  }
0x13: {  	[smem:$0x3FB4] =	sst s0;
	s0 =	simm.s32 @!p1 $0x0  }
0x14: {  	s2 =	sld [smem:$0x3F98];
	s0 =	simm.s32 @p1 $0x1  }
0x15: {  	[smem:$0x3FB5] =	sst s0;
	s0 =	simm.s32 @!p2 $0x0  }
0x16: {  	s3 =	sld [smem:$0x3FDB];
	s0 =	simm.s32 @p2 $0x1  }
0x17: {  	s4 =	simm.s32 $0x1BF5;
	[smem:$0x3FB7] =	sst s0  }
0x18: {  	s0 =	sld [smem:$0x3F9A];
	_ =	swait.ge [sflag:s4], $0x0  }
0x19: {  	s7 =	sld [smem:$0x3F9B]  }
0x1a: {  	s8 =	sadd.s32 $0xFFFFE003, lr  }
0x1b: {  	s9 =	sadd.s32 $0xFFFFFEF7, lr;
	s5 =	simm.s32 $0xFFFFFFFF;
	p2 =	slt.u32 s8, $0xFFFFF086  }
0x1c: {  	p1 =	slt.u32 s9, $0xF7A;
	s5 =	simm.s32 @!p2 $0x0  }
0x1d: {  	s5 =	simm.s32 @p1 $0x1;
	p0 =	seq.s32 s7, s2  }
0x1e: {  	s7 =	smul.u32 @!p0 $0xF7A, s2;
	p2 =	seq.s32 @!p0 s5, $0x0  }
0x1f: {  	s9 =	smul.u32 $0xF7A, s1;
	s8 =	simm.s32 @!p0 $0x1BF5;
	p2 =	por !p2, p0  }
0x20: {  	[sflag:s8] =	ssyncset.s32 @!p0 $0xFFFFF086;
	s6 =	sadd.s32 @!p0 s3, s7;
	s7 =	simm.s32 @!p0 $0x108  }
0x21: {  	s3 =	sadd.s32 s3, s9;
	s6 =	sadd.s32 @!p0 $0x88, s6;
	s7 =	simm.s32 @p2 $0x1082  }
0x22: {  	[simem:s7], [sflag:s8] =	dma.local @!p0 [hbm:s6], $0xF7A  }
0x23: {  	s9 =	sor.u32 $0xD0000000, s2;
	s6 =	simm.s32 $0x108;
	_ =	swait.ge @!p0 [sflag:s8], $0x0  }
0x24: {  	s3 =	sadd.s32 $0x88, s3;
	s6 =	simm.s32 @!p1 $0x1082;
	[sflag:s4] =	ssyncset.s32 $0xFFFFF086  }
0x25: {  	[simem:s6], [sflag:s4] =	dma.local [hbm:s3], $0xF7A  }
0x26: {  	[smem:$0x3F9B] =	sst s1;
	(tag) =	ssettag s2;
	_ =	strace s9  }
0x27: {  	s1 =	sld [smem:$0x3FAB]  }
0x28: {  	s2 =	sld [smem:$0x3FAC]  }
0x29: {  	s4 =	sld [smem:$0x3FAE]  }
0x2a: {  	p0 =	seq.s32 s5, $0x0;
	s5 =	sld [smem:$0x3FAF]  }
0x2b: {  	s6 =	sld [smem:$0x3FB0]  }
0x2c: {  	s7 =	sld [smem:$0x3FB1]  }
0x2d: {  	s3 =	simm.s32 $0x108;
	s8 =	sld [smem:$0x3FB2]  }
0x2e: {  	s3 =	simm.s32 @!p0 $0x1082;
	s9 =	sld [smem:$0x3FB3]  }
0x2f: {  	lr =	sadd.s32 s0, s3;
	s0 =	sld [smem:$0x3FAA]  }
0x30: {  	s3 =	sld [smem:$0x3FAD]  }
0x31: {  	[smem:$0x3FB6] =	sst s10  }
0x32: {  	s10 =	sld [smem:$0x3FB4];
	_ =	sdelay $0x3  }
0x33: {  	p0 =	seq.s32 s10, $0x1;
	s10 =	sld [smem:$0x3FB6];
	_ =	sdelay $0x3  }
0x34: {  	[smem:$0x3FB6] =	sst s10  }
0x35: {  	s10 =	sld [smem:$0x3FB5];
	_ =	sdelay $0x3  }
0x36: {  	p1 =	seq.s32 s10, $0x1;
	s10 =	sld [smem:$0x3FB6];
	_ =	sdelay $0x3  }
0x37: {  	[smem:$0x3FB6] =	sst s10  }
0x38: {  	s10 =	sld [smem:$0x3FB7]  }
0x39: {  	_ = 	snop;
	(pc) =	sbr.ind lr, $3  }
0x3a: {  	_ = 	snop  }
0x3b: {  	_ = 	snop  }
0x3c: {  	p2 =	seq.s32 s10, $0x1;
	s10 =	sld [smem:$0x3FB6]  }
0x3d: {  	_ =	shalt  }
0x3e: {  	_ =	shalt  }
0x3f: {  	_ =	shalt  }
0x40: {  	_ =	shalt  }
0x41: {  	_ =	shalt  }
0x42: {  	_ =	shalt  }
0x43: {  	_ =	shalt  }
0x44: {  	_ =	shalt  }
0x45: {  	_ =	shalt  }
0x46: {  	_ =	shalt  }
0x47: {  	_ =	shalt  }
0x48: {  	_ =	shalt  }
0x49: {  	_ =	shalt  }
0x4a: {  	_ =	shalt  }
0x4b: {  	_ =	shalt  }
0x4c: {  	_ =	shalt  }
0x4d: {  	_ =	shalt  }
0x4e: {  	_ =	shalt  }
0x4f: {  	_ =	shalt  }
0x50: {  	_ =	shalt  }
0x51: {  	_ =	shalt  }
0x52: {  	_ =	shalt  }
0x53: {  	_ =	shalt  }
0x54: {  	_ =	shalt  }
0x55: {  	_ =	shalt  }
0x56: {  	_ =	shalt  }
0x57: {  	_ =	shalt  }
0x58: {  	_ =	shalt  }
0x59: {  	_ =	shalt  }
0x5a: {  	_ =	shalt  }
0x5b: {  	_ =	shalt  }
0x5c: {  	_ =	shalt  }
0x5d: {  	_ =	shalt  }
0x5e: {  	_ =	shalt  }
0x5f: {  	_ =	shalt  }
0x60: {  	_ =	shalt  }
0x61: {  	_ =	shalt  }
0x62: {  	_ =	shalt  }
0x63: {  	_ =	shalt  }
0x64: {  	_ =	shalt  }
0x65: {  	_ =	shalt  }
0x66: {  	_ =	shalt  }
0x67: {  	_ =	shalt  }
0x68: {  	_ =	shalt  }
0x69: {  	_ =	shalt  }
0x6a: {  	_ =	shalt  }
0x6b: {  	_ =	shalt  }
0x6c: {  	_ =	shalt  }
0x6d: {  	_ =	shalt  }
0x6e: {  	_ =	shalt  }
0x6f: {  	_ =	shalt  }
0x70: {  	_ =	shalt  }
0x71: {  	_ =	shalt  }
0x72: {  	_ =	shalt  }
0x73: {  	_ =	shalt  }
0x74: {  	_ =	shalt  }
0x75: {  	_ =	shalt  }
0x76: {  	_ =	shalt  }
0x77: {  	_ =	shalt  }
0x78: {  	_ =	shalt  }
0x79: {  	_ =	shalt  }
0x7a: {  	_ =	shalt  }
0x7b: {  	_ =	shalt  }
0x7c: {  	_ =	shalt  }
0x7d: {  	_ =	shalt  }
0x7e: {  	_ =	shalt  }
0x7f: {  	_ =	shalt  }
0x80: {  	_ =	shalt  }
0x81: {  	_ =	shalt  }
0x82: {  	_ =	shalt  }
0x83: {  	_ =	shalt  }
0x84: {  	_ =	shalt  }
0x85: {  	_ =	shalt  }
0x86: {  	_ =	shalt  }
0x87: {  	_ =	shalt  }
.Lfunc_end0:
.L_simem_size_0:
called_computation.2_lowered:
.L_overlay_start_0:
0x88: {  	s2 =	sld [smem:$0x3FD9]  }
0x89: {  	s3 =	sld [smem:$0x3FFE];
	_ =	sdelay $0x1  }
0x8a: {  	s1 =	srdreg.scid  }
0x8b: {  	s0 =	sand.u32 $0x1, s1  }
0x8c: {  	s17 =	sshll.u32 s0, $0xA;
	s2 =	sadd.s32 s3, s2  }
0x8d: {  	s2 =	sadd.s32 s2, s17  }
0x8e: {  	[smem:$0x3FC2] =	sst s2  }
0x8f: {  	_ = 	snop  }
0x90: {  	s2 =	sld [smem:$0x3FD0];
	(tm) =	ssettm $0x1  }
0x91: {  	s18 =	sld [smem:$0x3FFB];
	_ =	sdelay $0x3  }
0x92: {  	_ =	strace s18  }
0x93: {  	s3 =	sld [smem:$0x3FFC];
	_ =	sdelay $0x3  }
0x94: {  	_ =	strace s3  }
0x95: {  	s3 =	sld [smem:$0x3FFD];
	_ =	sdelay $0x3  }
0x96: {  	_ =	strace s3  }
0x97: {  	_ =	strace $0x8FFFFFFF  }
0x98: {  	s19 =	sld [smem:$0x3FDB];
	_ =	sdelay $0x1  }
0x99: {  	s4 =	simm.s32 $_scs_section_size  }
0x9a: {  	s5 =	simm.s32 $_size__tile_overlayer_lowered;
	s6 =	simm.s32 $_tile_overlayer_lowered  }
0x9b: {  	s22 =	simm.s32 $0x1BFF;
	s21 =	sshll.u32 s6, $0x1;
	s3 =	sadd.s32 s4, s19  }
0x9c: {  	s7 =	simm.s32 $0x0;
	s20 =	sshll.u32 s5, $0x1;
	s5 =	sadd.s32 s21, s3  }
0x9d: {  	[timem:s7], [sflag:s22] =	dma.local [hbm:s5], s20  }
0x9e: {  	_ =	swait.ge [sflag:s22], s20  }
0x9f: {  	s4 =	ssub.s32 $0x0, s20;
	[sflag:s22] =	ssyncset.done $0x0  }
0xa0: {  	[sflag:s22] =	ssyncadd.s32 s4;
	_ =	sdelay $0x1  }
0xa1: {  	s23 =	simm.s32 $0x1B8B  }
0xa2: {  	_ =	swait.ge [sflag:s23], $0x1  }
0xa3: {  	[sflag:s23] =	ssyncset.done $0x0  }
0xa4: {  	s25 =	simm.s32 $0x1B8E;
	s24 =	sld [smem:$0x3FFE];
	[sflag:s23] =	ssyncadd.s32 $0xFFFFFFFF  }
0xa5: {  	s26 =	simm.s32 $execute0_lowered;
	[smem:$0x3FD2] =	sst s25  }
0xa6: {  	s5 =	sshll.u32 s26, $0x1;
	_ =	strace $0x8000004C;
	[dreg:$0x1] =	wrdreg $0xFFFFFFFF  }
0xa7: {  	s28 =	simm.s32 $_size_execute0_lowered;
	s3 =	sadd.s32 s3, s5;
	[dreg:$0x0] =	wrdreg $0x0  }
0xa8: {  	s5 =	sshll.u32 s28, $0x1;
	[dreg:$0x2] =	wrdreg s3  }
0xa9: {  	[dreg:$0x3] =	wrdreg s5  }
0xaa: {  	[dreg:$0x4] =	wrdreg $0xC0  }
0xab: {  	_ =	task [dreg:s7], $0x5FFFF  }
0xac: {  	[dreg:$0x1] =	wrdreg $0xFFFFFFFF  }
0xad: {  	[dreg:$0x0] =	wrdreg $0x60  }
0xae: {  	[dreg:$0x2] =	wrdreg s24  }
0xaf: {  	[dreg:$0x3] =	wrdreg s2  }
0xb0: {  	[dreg:$0x4] =	wrdreg $0xA8800  }
0xb1: {  	[dreg:$0x5] =	wrdreg $0x9  }
0xb2: {  	_ =	task.clear_ibuf [dreg:s7], $0x6FFFF;
	_ =	strace $0x9000004C  }
0xb3: {  	s29 =	simm.s32 $0x9;
	_ =	strace $0x8000004E  }
0xb4: {  	_ =	swait.ge [sflag:s29], $0x1  }
0xb5: {  	[sflag:s29] =	ssyncadd.s32 $0xFFFFFFFF  }
0xb6: {  	_ =	strace $0x9000004E  }
0xb7: {  	_ =	sfence  }
0xb8: {  	s30 =	sld [smem:$0x0];
	_ =	sdelay $0x2  }
0xb9: {  	s31 =	sshll.u32 s1, $0xD;
	s1 =	sshrl.u32 s1, $0x2  }
0xba: {  	s3 =	sand.u32 $0x4000, s31;
	s1 =	sadd.s32 s1, s30  }
0xbb: {  	s0 =	sor.u32 s3, s0;
	s1 =	sshll.u32 s1, $0x11  }
0xbc: {  	s0 =	sor.u32 s1, s0  }
0xbd: {  	s0 =	sadd.s32 $0x8F2B, s0  }
0xbe: {  	[sflag:s0] =	ssyncadd.remote.s32 $0x1  }
0xbf: {  	_ =	sfence.sel $0xFFFF  }
0xc0: {  	[dreg:$0x0] =	wrdreg $0xFFFFFFFF;
	(pc) =	sbr.abs _section_cstart, $3  }
0xc1: {  	[dreg:$0x1] =	wrdreg $0xFFFFFFFF  }
0xc2: {  	_ =	task.clear_ibuf [dreg:s7], $0x2FFFF;
	_ =	strace $0x9FFFFFFF  }
0xc3: {  	(tm) =	ssettm $0x7FFFFFFF  }
tec
execute0_lowered:
.L_overlay_start_1:
0x0: {  	(tag) =	ssettag $0x1  }
0x1: {  	s6 =	rddreg [dreg:$0x0]  }
0x2: {  	s1 =	srdreg.scid;
	s7 =	rddreg [dreg:$0x1]  }
0x3: {  	s0 =	stileid.u32;
	s2 =	rddreg [dreg:$0x2];
	s3 =	simm.s32 $0x0  }
0x4: {  	s15 =	simm.s32 $0x80;
	s16 =	simm.s32 $0x6800;
	s17 =	simm.s32 $0x1  }
0x5: {  	s18 =	simm.s32 $0x0;
	s11 =	sand.u32 $0x1, s1;
	s26 =	sshll.u32 s0, $0x1  }
0x6: {  	s9 =	smul.u32 $0x14000, s0;
	[smem:$0x7FF] =	sst s3;
	s4 =	sadd.s32 $0x10600, s6  }
0x7: {  	s5 =	sadd.s32 $0x2200, s6;
	s14 =	smul.u32 $0x50000, s0;
	s31 =	sshll.u32 s0, $0x6  }
0x8: {  	s1 =	sor.u32 s11, s26;
	s10 =	smul.u32 $0x140000, s11;
	s28 =	ssub.s32 $0x2, s11  }
0x9: {  	p0 =	seq.s32 s11, $0x0;
	s11 =	simm.s32 $0x2;
	s8 =	smul.u32 $0x680, s1  }
0xa: {  	s1 =	rddreg [dreg:$0x3];
	_ =	strace $0x8000004D;
	s13 =	sshrl.u32 s9, $0x3  }
0xb: {  	s29 =	sshrl.u32 s28, $0x1;
	s30 =	sshrl.u32 s14, $0x2;
	s9 =	sadd.s32 s9, s10  }
.Ltmp0:
0xc: {  	s13 =	sadd.s32 s13, s6;
	s10 =	ssub.s32 s28, s29;
	(pc) =	sbr.rel .LBB2_1-.Ltmp0, $4  }
0xd: {  	s14 =	sadd.s32 s30, s2;
	s12 =	sadd.s32 s8, s6;
	s9 =	sshrl.u32 s9, $0x3  }
0xe: {  	s7 =	sadd.s32 s7, s8;
	s8 =	sadd.s32 $0x38600, s13;
	s10 =	smax.u32 s10, $0x1  }
0xf: {  	s13 =	sor.u32 $0x1C02, s31;
	s14 =	sshrl.u32 s14, $0x3;
	s9 =	sadd.s32 s9, s6  }
0x10: {  	s6 =	sadd.s32 $0x3600, s12;
	s12 =	simm.s32 $0xA800;
	s9 =	sadd.s32 $0x60600, s9  }
.LBB2_4:
0x11: {  	[sflag:s11] =	ssyncadd.s32 $0xFFFFC000  }
.LBB2_5:
0x12: {  	s18 =	sadd.s32 $0x1, s18  }
0x13: {  	p1 =	sne.s32 s18, s10  }
.Ltmp1:
0x14: {  	[bflag:$0x0] =	sbarrier.arrive $0xFFFF;
	(pc) =	sbr.rel @!p1 .LBB2_6-.Ltmp1, $4  }
0x15: {  	[hbm:s9], [sflag:s13] =	dma.local [spmem:s14], $0x2800  }
0x16: {  	_ =	swait.ge [sflag:s11], $0x2800  }
0x17: {  	[sflag:s11] =	ssyncset.done $0x0  }
0x18: {  	[sflag:s11] =	ssyncadd.s32 $0xFFFFD800  }
.LBB2_1:
0x19: {  	[tilespmem:s3], [sflag:$0x2] =	stream.linear.gather [hbm4b:s6+s3], $0x3300, $0x38;
	[tilespmem:$0x1E880] =	vst v63  }
0x1a: {  	_ =	swait.ge [sflag:s11], $0x3300  }
0x1b: {  	[sflag:s11] =	ssyncset.done $0x0  }
0x1c: {  	s19 =	simm.s32 $0x3400;
	[sflag:s11] =	ssyncadd.s32 $0xFFFFCD00  }
0x1d: {  	[tilespmem:s19], [sflag:$0x2] =	stream.linear.gather [hbm4b:s7+s3], $0x3300, $0x38;
	[tilespmem:$0x1E880] =	vst v63  }
0x1e: {  	_ =	swait.ge [sflag:s11], $0x3300  }
0x1f: {  	[sflag:s11] =	ssyncset.done $0x0  }
0x20: {  	[sflag:s11] =	ssyncadd.s32 $0xFFFFCD00  }
0x21: {  	[tilespmem:s12], [sflag:$0x2] =	stream.linear.gather [hbm4b:s5+s3], $0x80, $0x38;
	[tilespmem:$0x1E880] =	vst v63  }
0x22: {  	_ =	swait.ge [sflag:s11], $0x80  }
0x23: {  	[sflag:s11] =	ssyncset.done $0x0  }
0x24: {  	[sflag:s11] =	ssyncadd.s32 $0xFFFFFF80  }
0x25: {  	[spmem:s14], [sflag:s13] =	dma.local [hbm:s8], $0x2800  }
0x26: {  	_ =	swait.ge [sflag:s11], $0x2800  }
0x27: {  	[sflag:s11] =	ssyncset.done $0x0  }
0x28: {  	[sflag:s11] =	ssyncadd.s32 $0xFFFFD800  }
0x29: {  	[bflag:$0x0] =	sbarrier.arrive $0xFFFF  }
0x2a: {  	v0 =	vld [tilespmem:$0xA800];
	_ =	sdelay $0x4  }
0x2b: {  	(v2sf) =	vpush v0, $0x0  }
0x2c: {  	(v2sf) =	vpush v0, $0x1;
	_ =	sdelay $0xd  }
0x2d: {  	s21 =	spop (v2sf)  }
0x2e: {  	s20 =	spop (v2sf)  }
0x2f: {  	s20 =	smov.u32 @p0 s21  }
0x30: {  	p1 =	slt.s32 s20, $0x1  }
.Ltmp2:
0x31: {  	_ = 	snop;
	(pc) =	sbr.rel @p1 .LBB2_5-.Ltmp2, $1  }
0x32: {  	_ =	sdelay $0x3  }
0x33: {  	[tilespmem:s16], [sflag:$0x1] =	stream.indirect.gather [hbm4b:s4+s15], $0x80, s3, s15, $0xb8;
	[tilespmem:$0x1E880] =	vst v63  }
0x34: {  	p1 =	sne.s32 s20, $0x1;
	_ =	swait.ge [sflag:s17], $0x4000  }
.Ltmp3:
0x35: {  	[sflag:s17] =	ssyncset.done $0x0;
	(pc) =	sbr.rel @!p1 .LBB2_4-.Ltmp3, $4  }
0x36: {  	[sflag:s17] =	ssyncadd.s32 $0xFFFFC000  }
0x37: {  	[spmem:s2] =	stream.indirect.scatter.add.f32 [tilespmem:s16], [sflag:$0x2], $0x80, s19, s15, $0xb8;
	[tilespmem:$0x1E880] =	vst v63  }
0x38: {  	_ =	swait.ge [sflag:s11], $0x4000  }
0x39: {  	s20 =	sadd.s32 $0xFFFFFFFF, s20;
	s21 =	simm.s32 $0x0;
	[sflag:s11] =	ssyncset.done $0x0  }
.LBB2_3:
0x3a: {  	[sflag:s11] =	ssyncadd.s32 $0xFFFFC000;
	s21 =	sadd.s32 $0x80, s21;
	s19 =	sadd.s32 $0x80, s19  }
0x3b: {  	[tilespmem:s16], [sflag:$0x1] =	stream.indirect.gather [hbm4b:s4+s15], $0x80, s21, s15, $0xb8;
	[tilespmem:$0x1E880] =	vst v63  }
0x3c: {  	p1 =	sne.s32 s20, $0x1;
	s20 =	sadd.s32 $0xFFFFFFFF, s20;
	_ =	swait.ge [sflag:s17], $0x4000  }
.Ltmp4:
0x3d: {  	[sflag:s17] =	ssyncset.done $0x0;
	(pc) =	sbr.rel @p1 .LBB2_3-.Ltmp4, $4  }
0x3e: {  	[sflag:s17] =	ssyncadd.s32 $0xFFFFC000  }
0x3f: {  	[spmem:s2] =	stream.indirect.scatter.add.f32 [tilespmem:s16], [sflag:$0x2], $0x80, s19, s15, $0xb8;
	[tilespmem:$0x1E880] =	vst v63  }
0x40: {  	_ =	swait.ge [sflag:s11], $0x4000  }
0x41: {  	[sflag:s11] =	ssyncset.done $0x0  }
.Ltmp5:
0x42: {  	_ = 	snop;
	(pc) =	sbr.rel .LBB2_4-.Ltmp5, $1  }
0x43: {  	_ =	sdelay $0x3  }
.LBB2_6:
0x44: {  	_ =	sfence.sel $0x180000  }
0x45: {  	[bflag:$0x0] =	sbarrier.arrive $0xFFFF  }
0x46: {  	p0 =	sne.s32 s0, $0x0;
	_ =	strace $0x9000004D  }
0x47: {  	s0 =	sadd.s32 @!p0 $0x100000, s1;
	[bflag:$0x2] =	sbarrier.arrive $0xFFFF  }
0x48: {  	[sflag:s0] =	ssyncadd.tile.s32 @!p0 $0x1;
	_ =	shalt  }
.Lfunc_end2:
_tile_overlayer_lowered:
.L_overlay_start_2:
0x49: {  	(tag) =	ssettag $0x2  }
0x4a: {  	s0 =	rddreg [dreg:$0x0];
	s2 =	stileid.u32  }
0x4b: {  	s1 =	rddreg [dreg:$0x1];
	p0 =	sne.s32 s2, $0x0  }
0x4c: {  	s3 =	rddreg [dreg:$0x2];
	[bflag:$0x3] =	sbarrier.arrive $0xFFFF;
	s2 =	simm.s32 @!p0 $0x1C02  }
0x4d: {  	[timem:s3], [sflag:s2] =	dma.local @!p0 [hbm:s0], s1  }
0x4e: {  	s0 =	simm.s32 @!p0 $0x2  }
0x4f: {  	_ =	swait.ge @!p0 [sflag:s0], s1  }
0x50: {  	s1 =	ssub.s32 @!p0 $0x0, s1;
	[sflag:s0] =	ssyncset.done @!p0 $0x0  }
0x51: {  	[sflag:s0] =	ssyncadd.s32 @!p0 s1  }
0x52: {  	[bflag:$0x3] =	sbarrier.arrive $0xFFFF  }
0x53: {  	_ =	shalt  }

// kernel: kernel.8.cloned.1.call-start
scs
__scs_entry_jumppad:
0x0: {  	(pc) =	sbr.rel $0x88, $3  }
0x1: {  	(tag) =	ssettag $0x0;
	lr =	simm.s32 $0x1  }
0x2: {  	[smem:$0x3F9B] =	sst lr;
	_ =	strace $0xD0000000  }
0x3: {  	_ = 	snop  }
0x4: {  	_ = 	snop  }
0x5: {  	_ = 	snop  }
0x6: {  	_ = 	snop  }
0x7: {  	_ = 	snop  }
__scs_overlays_trampoline_lowered:
0x8: {  	[smem:$0x3FAA] =	sst s0  }
0x9: {  	[smem:$0x3FAB] =	sst s1  }
0xa: {  	[smem:$0x3FAC] =	sst s2  }
0xb: {  	[smem:$0x3FAD] =	sst s3  }
0xc: {  	[smem:$0x3FAE] =	sst s4  }
0xd: {  	[smem:$0x3FAF] =	sst s5  }
0xe: {  	[smem:$0x3FB0] =	sst s6  }
0xf: {  	[smem:$0x3FB1] =	sst s7  }
0x10: {  	[smem:$0x3FB2] =	sst s8  }
0x11: {  	[smem:$0x3FB3] =	sst s9;
	s0 =	simm.s32 @!p0 $0x0  }
0x12: {  	s1 =	sld [smem:$0x3F99];
	s0 =	simm.s32 @p0 $0x1  }
0x13: {  	[smem:$0x3FB4] =	sst s0;
	s0 =	simm.s32 @!p1 $0x0  }
0x14: {  	s2 =	sld [smem:$0x3F98];
	s0 =	simm.s32 @p1 $0x1  }
0x15: {  	[smem:$0x3FB5] =	sst s0;
	s0 =	simm.s32 @!p2 $0x0  }
0x16: {  	s3 =	sld [smem:$0x3FDB];
	s0 =	simm.s32 @p2 $0x1  }
0x17: {  	s4 =	simm.s32 $0x1BF5;
	[smem:$0x3FB7] =	sst s0  }
0x18: {  	s0 =	sld [smem:$0x3F9A];
	_ =	swait.ge [sflag:s4], $0x0  }
0x19: {  	s7 =	sld [smem:$0x3F9B]  }
0x1a: {  	s8 =	sadd.s32 $0xFFFFE003, lr  }
0x1b: {  	s9 =	sadd.s32 $0xFFFFFEF7, lr;
	s5 =	simm.s32 $0xFFFFFFFF;
	p2 =	slt.u32 s8, $0xFFFFF086  }
0x1c: {  	p1 =	slt.u32 s9, $0xF7A;
	s5 =	simm.s32 @!p2 $0x0  }
0x1d: {  	s5 =	simm.s32 @p1 $0x1;
	p0 =	seq.s32 s7, s2  }
0x1e: {  	s7 =	smul.u32 @!p0 $0xF7A, s2;
	p2 =	seq.s32 @!p0 s5, $0x0  }
0x1f: {  	s9 =	smul.u32 $0xF7A, s1;
	s8 =	simm.s32 @!p0 $0x1BF5;
	p2 =	por !p2, p0  }
0x20: {  	[sflag:s8] =	ssyncset.s32 @!p0 $0xFFFFF086;
	s6 =	sadd.s32 @!p0 s3, s7;
	s7 =	simm.s32 @!p0 $0x108  }
0x21: {  	s3 =	sadd.s32 s3, s9;
	s6 =	sadd.s32 @!p0 $0x88, s6;
	s7 =	simm.s32 @p2 $0x1082  }
0x22: {  	[simem:s7], [sflag:s8] =	dma.local @!p0 [hbm:s6], $0xF7A  }
0x23: {  	s9 =	sor.u32 $0xD0000000, s2;
	s6 =	simm.s32 $0x108;
	_ =	swait.ge @!p0 [sflag:s8], $0x0  }
0x24: {  	s3 =	sadd.s32 $0x88, s3;
	s6 =	simm.s32 @!p1 $0x1082;
	[sflag:s4] =	ssyncset.s32 $0xFFFFF086  }
0x25: {  	[simem:s6], [sflag:s4] =	dma.local [hbm:s3], $0xF7A  }
0x26: {  	[smem:$0x3F9B] =	sst s1;
	(tag) =	ssettag s2;
	_ =	strace s9  }
0x27: {  	s1 =	sld [smem:$0x3FAB]  }
0x28: {  	s2 =	sld [smem:$0x3FAC]  }
0x29: {  	s4 =	sld [smem:$0x3FAE]  }
0x2a: {  	p0 =	seq.s32 s5, $0x0;
	s5 =	sld [smem:$0x3FAF]  }
0x2b: {  	s6 =	sld [smem:$0x3FB0]  }
0x2c: {  	s7 =	sld [smem:$0x3FB1]  }
0x2d: {  	s3 =	simm.s32 $0x108;
	s8 =	sld [smem:$0x3FB2]  }
0x2e: {  	s3 =	simm.s32 @!p0 $0x1082;
	s9 =	sld [smem:$0x3FB3]  }
0x2f: {  	lr =	sadd.s32 s0, s3;
	s0 =	sld [smem:$0x3FAA]  }
0x30: {  	s3 =	sld [smem:$0x3FAD]  }
0x31: {  	[smem:$0x3FB6] =	sst s10  }
0x32: {  	s10 =	sld [smem:$0x3FB4];
	_ =	sdelay $0x3  }
0x33: {  	p0 =	seq.s32 s10, $0x1;
	s10 =	sld [smem:$0x3FB6];
	_ =	sdelay $0x3  }
0x34: {  	[smem:$0x3FB6] =	sst s10  }
0x35: {  	s10 =	sld [smem:$0x3FB5];
	_ =	sdelay $0x3  }
0x36: {  	p1 =	seq.s32 s10, $0x1;
	s10 =	sld [smem:$0x3FB6];
	_ =	sdelay $0x3  }
0x37: {  	[smem:$0x3FB6] =	sst s10  }
0x38: {  	s10 =	sld [smem:$0x3FB7]  }
0x39: {  	_ = 	snop;
	(pc) =	sbr.ind lr, $3  }
0x3a: {  	_ = 	snop  }
0x3b: {  	_ = 	snop  }
0x3c: {  	p2 =	seq.s32 s10, $0x1;
	s10 =	sld [smem:$0x3FB6]  }
0x3d: {  	_ =	shalt  }
0x3e: {  	_ =	shalt  }
0x3f: {  	_ =	shalt  }
0x40: {  	_ =	shalt  }
0x41: {  	_ =	shalt  }
0x42: {  	_ =	shalt  }
0x43: {  	_ =	shalt  }
0x44: {  	_ =	shalt  }
0x45: {  	_ =	shalt  }
0x46: {  	_ =	shalt  }
0x47: {  	_ =	shalt  }
0x48: {  	_ =	shalt  }
0x49: {  	_ =	shalt  }
0x4a: {  	_ =	shalt  }
0x4b: {  	_ =	shalt  }
0x4c: {  	_ =	shalt  }
0x4d: {  	_ =	shalt  }
0x4e: {  	_ =	shalt  }
0x4f: {  	_ =	shalt  }
0x50: {  	_ =	shalt  }
0x51: {  	_ =	shalt  }
0x52: {  	_ =	shalt  }
0x53: {  	_ =	shalt  }
0x54: {  	_ =	shalt  }
0x55: {  	_ =	shalt  }
0x56: {  	_ =	shalt  }
0x57: {  	_ =	shalt  }
0x58: {  	_ =	shalt  }
0x59: {  	_ =	shalt  }
0x5a: {  	_ =	shalt  }
0x5b: {  	_ =	shalt  }
0x5c: {  	_ =	shalt  }
0x5d: {  	_ =	shalt  }
0x5e: {  	_ =	shalt  }
0x5f: {  	_ =	shalt  }
0x60: {  	_ =	shalt  }
0x61: {  	_ =	shalt  }
0x62: {  	_ =	shalt  }
0x63: {  	_ =	shalt  }
0x64: {  	_ =	shalt  }
0x65: {  	_ =	shalt  }
0x66: {  	_ =	shalt  }
0x67: {  	_ =	shalt  }
0x68: {  	_ =	shalt  }
0x69: {  	_ =	shalt  }
0x6a: {  	_ =	shalt  }
0x6b: {  	_ =	shalt  }
0x6c: {  	_ =	shalt  }
0x6d: {  	_ =	shalt  }
0x6e: {  	_ =	shalt  }
0x6f: {  	_ =	shalt  }
0x70: {  	_ =	shalt  }
0x71: {  	_ =	shalt  }
0x72: {  	_ =	shalt  }
0x73: {  	_ =	shalt  }
0x74: {  	_ =	shalt  }
0x75: {  	_ =	shalt  }
0x76: {  	_ =	shalt  }
0x77: {  	_ =	shalt  }
0x78: {  	_ =	shalt  }
0x79: {  	_ =	shalt  }
0x7a: {  	_ =	shalt  }
0x7b: {  	_ =	shalt  }
0x7c: {  	_ =	shalt  }
0x7d: {  	_ =	shalt  }
0x7e: {  	_ =	shalt  }
0x7f: {  	_ =	shalt  }
0x80: {  	_ =	shalt  }
0x81: {  	_ =	shalt  }
0x82: {  	_ =	shalt  }
0x83: {  	_ =	shalt  }
0x84: {  	_ =	shalt  }
0x85: {  	_ =	shalt  }
0x86: {  	_ =	shalt  }
0x87: {  	_ =	shalt  }
.Lfunc_end0:
.L_simem_size_0:
called_computation_lowered:
.L_overlay_start_0:
0x88: {  	s2 =	sld [smem:$0x3FD9]  }
0x89: {  	s3 =	sld [smem:$0x3FFE];
	_ =	sdelay $0x1  }
0x8a: {  	s1 =	srdreg.scid  }
0x8b: {  	s0 =	sand.u32 $0x1, s1  }
0x8c: {  	s17 =	sshll.u32 s0, $0xA;
	s2 =	sadd.s32 s3, s2  }
0x8d: {  	s2 =	sadd.s32 s2, s17  }
0x8e: {  	[smem:$0x3FC2] =	sst s2  }
0x8f: {  	_ = 	snop  }
0x90: {  	s2 =	sld [smem:$0x3FD0];
	(tm) =	ssettm $0x1  }
0x91: {  	s18 =	sld [smem:$0x3FFB];
	_ =	sdelay $0x3  }
0x92: {  	_ =	strace s18  }
0x93: {  	s3 =	sld [smem:$0x3FFC];
	_ =	sdelay $0x3  }
0x94: {  	_ =	strace s3  }
0x95: {  	s3 =	sld [smem:$0x3FFD];
	_ =	sdelay $0x3  }
0x96: {  	_ =	strace s3  }
0x97: {  	_ =	strace $0x8FFFFFFF  }
0x98: {  	s19 =	sld [smem:$0x3FDB];
	_ =	sdelay $0x1  }
0x99: {  	s4 =	simm.s32 $_scs_section_size  }
0x9a: {  	s5 =	simm.s32 $_size__tile_overlayer_lowered;
	s6 =	simm.s32 $_tile_overlayer_lowered  }
0x9b: {  	s22 =	simm.s32 $0x1BFF;
	s21 =	sshll.u32 s6, $0x1;
	s3 =	sadd.s32 s4, s19  }
0x9c: {  	s7 =	simm.s32 $0x0;
	s20 =	sshll.u32 s5, $0x1;
	s5 =	sadd.s32 s21, s3  }
0x9d: {  	[timem:s7], [sflag:s22] =	dma.local [hbm:s5], s20  }
0x9e: {  	_ =	swait.ge [sflag:s22], s20  }
0x9f: {  	s4 =	ssub.s32 $0x0, s20;
	[sflag:s22] =	ssyncset.done $0x0  }
0xa0: {  	[sflag:s22] =	ssyncadd.s32 s4;
	_ =	sdelay $0x1  }
0xa1: {  	s23 =	simm.s32 $0x1B8B  }
0xa2: {  	_ =	swait.ge [sflag:s23], $0x1  }
0xa3: {  	[sflag:s23] =	ssyncset.done $0x0  }
0xa4: {  	s25 =	simm.s32 $0x1B8E;
	s24 =	sld [smem:$0x3FFE];
	[sflag:s23] =	ssyncadd.s32 $0xFFFFFFFF  }
0xa5: {  	s26 =	simm.s32 $execute0_lowered;
	[smem:$0x3FD2] =	sst s25  }
0xa6: {  	s5 =	sshll.u32 s26, $0x1;
	_ =	strace $0x80000046;
	[dreg:$0x1] =	wrdreg $0xFFFFFFFF  }
0xa7: {  	s28 =	simm.s32 $_size_execute0_lowered;
	s3 =	sadd.s32 s3, s5;
	[dreg:$0x0] =	wrdreg $0x0  }
0xa8: {  	s5 =	sshll.u32 s28, $0x1;
	[dreg:$0x2] =	wrdreg s3  }
0xa9: {  	[dreg:$0x3] =	wrdreg s5  }
0xaa: {  	[dreg:$0x4] =	wrdreg $0xC0  }
0xab: {  	_ =	task [dreg:s7], $0x5FFFF  }
0xac: {  	[dreg:$0x1] =	wrdreg $0xFFFFFFFF  }
0xad: {  	[dreg:$0x0] =	wrdreg $0x60  }
0xae: {  	[dreg:$0x2] =	wrdreg s2  }
0xaf: {  	[dreg:$0x3] =	wrdreg s24  }
0xb0: {  	[dreg:$0x4] =	wrdreg $0x35000  }
0xb1: {  	[dreg:$0x5] =	wrdreg $0x9  }
0xb2: {  	_ =	task.clear_ibuf [dreg:s7], $0x6FFFF;
	_ =	strace $0x90000046  }
0xb3: {  	s29 =	simm.s32 $0x9;
	_ =	strace $0x80000048  }
0xb4: {  	_ =	swait.ge [sflag:s29], $0x1  }
0xb5: {  	[sflag:s29] =	ssyncadd.s32 $0xFFFFFFFF  }
0xb6: {  	_ =	strace $0x90000048  }
0xb7: {  	_ =	sfence  }
0xb8: {  	s30 =	sld [smem:$0x0];
	_ =	sdelay $0x2  }
0xb9: {  	s31 =	sshll.u32 s1, $0xD;
	s1 =	sshrl.u32 s1, $0x2  }
0xba: {  	s3 =	sand.u32 $0x4000, s31;
	s1 =	sadd.s32 s1, s30  }
0xbb: {  	s0 =	sor.u32 s3, s0;
	s1 =	sshll.u32 s1, $0x11  }
0xbc: {  	s0 =	sor.u32 s1, s0  }
0xbd: {  	s0 =	sadd.s32 $0x8F2B, s0  }
0xbe: {  	[sflag:s0] =	ssyncadd.remote.s32 $0x1  }
0xbf: {  	_ =	sfence.sel $0xFFFF  }
0xc0: {  	[dreg:$0x0] =	wrdreg $0xFFFFFFFF;
	(pc) =	sbr.abs _section_cstart, $3  }
0xc1: {  	[dreg:$0x1] =	wrdreg $0xFFFFFFFF  }
0xc2: {  	_ =	task.clear_ibuf [dreg:s7], $0x2FFFF;
	_ =	strace $0x9FFFFFFF  }
0xc3: {  	(tm) =	ssettm $0x7FFFFFFF  }
tec
execute0_lowered:
.L_overlay_start_1:
0x0: {  	(tag) =	ssettag $0x1  }
0x1: {  	s6 =	rddreg [dreg:$0x0]  }
0x2: {  	s7 =	rddreg [dreg:$0x1]  }
0x3: {  	s1 =	rddreg [dreg:$0x2]  }
0x4: {  	s0 =	rddreg [dreg:$0x3]  }
0x5: {  	s3 =	simm.s32 $0x0;
	s2 =	stileid.u32;
	s9 =	srdreg.scid  }
0x6: {  	s15 =	simm.s32 $0x80;
	s16 =	simm.s32 $0x20;
	s17 =	simm.s32 $0x10  }
0x7: {  	s18 =	simm.s32 $0x0;
	[smem:$0x7FF] =	sst s3;
	s4 =	sadd.s32 $0x1E00, s7  }
0x8: {  	s5 =	sadd.s32 $0x2A00, s7;
	s8 =	smul.u32 $0x280, s2;
	s10 =	sand.u32 $0x1, s9  }
0x9: {  	s28 =	smul.u32 $0x500, s2;
	s11 =	sshll.u32 s2, $0x1;
	s31 =	sshll.u32 s2, $0x6  }
0xa: {  	_ =	strace $0x80000047;
	s13 =	sshll.u32 s10, $0x7;
	s11 =	sor.u32 s10, s11  }
0xb: {  	s29 =	ssub.s32 $0x2, s10;
	p0 =	seq.s32 s10, $0x0;
	s10 =	simm.s32 $0x1  }
0xc: {  	s12 =	sshrl.u32 s8, $0x3;
	s9 =	sor.u32 s13, s28;
	s11 =	smul.u32 $0x680, s11  }
.Ltmp0:
0xd: {  	s14 =	sshrl.u32 s29, $0x1;
	s30 =	sadd.s32 s8, s1;
	(pc) =	sbr.rel .LBB2_1-.Ltmp0, $4  }
0xe: {  	s12 =	sadd.s32 s12, s7;
	s9 =	sshrl.u32 s9, $0x3;
	s13 =	ssub.s32 s29, s14  }
0xf: {  	s14 =	sshrl.u32 s30, $0x3;
	s9 =	sadd.s32 s9, s7;
	s6 =	sadd.s32 s6, s11  }
0x10: {  	s7 =	sadd.s32 $0x2400, s12;
	s11 =	simm.s32 $0x3480;
	s12 =	simm.s32 $0x3400  }
0x11: {  	s8 =	sadd.s32 $0x2C00, s9;
	s9 =	smax.u32 s13, $0x1;
	s13 =	sor.u32 $0x1C01, s31  }
.LBB2_4:
0x12: {  	[sflag:s10] =	ssyncadd.s32 $0xFFFFFF80  }
.LBB2_5:
0x13: {  	s18 =	sadd.s32 $0x1, s18  }
0x14: {  	p1 =	sne.s32 s18, s9  }
.Ltmp1:
0x15: {  	[bflag:$0x0] =	sbarrier.arrive $0xFFFF;
	(pc) =	sbr.rel @!p1 .LBB2_6-.Ltmp1, $4  }
0x16: {  	[hbm:s8@s16], [sflag:s13] =	dma.strided [spmem:s14@s17], $0x50, s10, $0x10   }
0x17: {  	_ =	swait.ge [sflag:s10], $0x50  }
0x18: {  	[sflag:s10] =	ssyncset.done $0x0  }
0x19: {  	[sflag:s10] =	ssyncadd.s32 $0xFFFFFFB0  }
.LBB2_1:
0x1a: {  	[tilespmem:s3], [sflag:$0x1] =	stream.linear.gather [hbm4b:s6+s3], $0x3300, $0x38;
	[tilespmem:$0x3780] =	vst v63  }
0x1b: {  	_ =	swait.ge [sflag:s10], $0x3300  }
0x1c: {  	[sflag:s10] =	ssyncset.done $0x0  }
0x1d: {  	[sflag:s10] =	ssyncadd.s32 $0xFFFFCD00  }
0x1e: {  	[tilespmem:s11], [sflag:$0x1] =	stream.linear.gather [hbm4b:s4+s3], $0x80, $0x38;
	[tilespmem:$0x3780] =	vst v63  }
0x1f: {  	_ =	swait.ge [sflag:s10], $0x80  }
0x20: {  	[sflag:s10] =	ssyncset.done $0x0  }
0x21: {  	[sflag:s10] =	ssyncadd.s32 $0xFFFFFF80  }
0x22: {  	[tilespmem:s12], [sflag:$0x1] =	stream.linear.gather [hbm4b:s5+s3], $0x80, $0x38;
	[tilespmem:$0x3780] =	vst v63  }
0x23: {  	_ =	swait.ge [sflag:s10], $0x80  }
0x24: {  	[sflag:s10] =	ssyncset.done $0x0  }
0x25: {  	[sflag:s10] =	ssyncadd.s32 $0xFFFFFF80  }
0x26: {  	[spmem:s14], [sflag:s13] =	dma.local [hbm:s7], $0x50  }
0x27: {  	_ =	swait.ge [sflag:s10], $0x50  }
0x28: {  	[sflag:s10] =	ssyncset.done $0x0  }
0x29: {  	[sflag:s10] =	ssyncadd.s32 $0xFFFFFFB0  }
0x2a: {  	[bflag:$0x0] =	sbarrier.arrive $0xFFFF  }
0x2b: {  	v0 =	vld [tilespmem:$0x3480];
	_ =	sdelay $0x4  }
0x2c: {  	(v2sf) =	vpush v0, $0x0  }
0x2d: {  	(v2sf) =	vpush v0, $0x1;
	_ =	sdelay $0xd  }
0x2e: {  	s20 =	spop (v2sf)  }
0x2f: {  	s19 =	spop (v2sf)  }
0x30: {  	s19 =	smov.u32 @p0 s20  }
0x31: {  	p1 =	slt.s32 s19, $0x1  }
.Ltmp2:
0x32: {  	_ = 	snop;
	(pc) =	sbr.rel @p1 .LBB2_5-.Ltmp2, $1  }
0x33: {  	_ =	sdelay $0x3  }
0x34: {  	p1 =	sne.s32 s19, $0x1  }
.Ltmp3:
0x35: {  	_ = 	snop;
	(pc) =	sbr.rel @!p1 .LBB2_4-.Ltmp3, $4  }
0x36: {  	_ = 	snop  }
0x37: {  	[spmem:s1] =	stream.indirect.scatter.add.f32 [tilespmem:s12], [sflag:$0x1], $0x1, s3, s15, $0xb8;
	[tilespmem:$0x3780] =	vst v63  }
0x38: {  	_ =	swait.ge [sflag:s10], $0x80  }
0x39: {  	s19 =	sadd.s32 $0xFFFFFFFF, s19;
	s20 =	simm.s32 $0x0;
	[sflag:s10] =	ssyncset.done $0x0  }
.LBB2_3:
0x3a: {  	p1 =	sne.s32 s19, $0x1;
	[sflag:s10] =	ssyncadd.s32 $0xFFFFFF80;
	s20 =	sadd.s32 $0x80, s20  }
.Ltmp4:
0x3b: {  	s19 =	sadd.s32 $0xFFFFFFFF, s19;
	(pc) =	sbr.rel @p1 .LBB2_3-.Ltmp4, $4  }
0x3c: {  	_ = 	snop  }
0x3d: {  	[spmem:s1] =	stream.indirect.scatter.add.f32 [tilespmem:s12], [sflag:$0x1], $0x1, s20, s15, $0xb8;
	[tilespmem:$0x3780] =	vst v63  }
0x3e: {  	_ =	swait.ge [sflag:s10], $0x80  }
0x3f: {  	[sflag:s10] =	ssyncset.done $0x0  }
.Ltmp5:
0x40: {  	_ = 	snop;
	(pc) =	sbr.rel .LBB2_4-.Ltmp5, $1  }
0x41: {  	_ =	sdelay $0x3  }
.LBB2_6:
0x42: {  	_ =	sfence.sel $0x180000  }
0x43: {  	[bflag:$0x0] =	sbarrier.arrive $0xFFFF  }
0x44: {  	p0 =	sne.s32 s2, $0x0;
	_ =	strace $0x90000047  }
0x45: {  	s0 =	sadd.s32 @!p0 $0x100000, s0;
	[bflag:$0x2] =	sbarrier.arrive $0xFFFF  }
0x46: {  	[sflag:s0] =	ssyncadd.tile.s32 @!p0 $0x1;
	_ =	shalt  }
.Lfunc_end2:
_tile_overlayer_lowered:
.L_overlay_start_2:
0x47: {  	(tag) =	ssettag $0x2  }
0x48: {  	s0 =	rddreg [dreg:$0x0];
	s2 =	stileid.u32  }
0x49: {  	s1 =	rddreg [dreg:$0x1];
	p0 =	sne.s32 s2, $0x0  }
0x4a: {  	s3 =	rddreg [dreg:$0x2];
	[bflag:$0x3] =	sbarrier.arrive $0xFFFF;
	s2 =	simm.s32 @!p0 $0x1C01  }
0x4b: {  	[timem:s3], [sflag:s2] =	dma.local @!p0 [hbm:s0], s1  }
0x4c: {  	s0 =	simm.s32 @!p0 $0x1  }
0x4d: {  	_ =	swait.ge @!p0 [sflag:s0], s1  }
0x4e: {  	s1 =	ssub.s32 @!p0 $0x0, s1;
	[sflag:s0] =	ssyncset.done @!p0 $0x0  }
0x4f: {  	[sflag:s0] =	ssyncadd.s32 @!p0 s1  }
0x50: {  	[bflag:$0x3] =	sbarrier.arrive $0xFFFF  }
0x51: {  	_ =	shalt  }

</sc_bundles>
